<compile_context>
chip_gen: v7x
topology: tpu7x:2x2x1
jax: 0.10.2.dev20260603
libtpu: 0.0.44.dev20260713+nightly
codegen_flags: <defaults>
</compile_context>

<pallas_src>
import jax
import jax.numpy as jnp
from jax import lax
from jax.experimental import pallas as pl
from jax.experimental.pallas import tpu as pltpu
from jax.experimental.pallas import tpu_sc as plsc

_L = 16


def _sc_stage(wu_hbm, wv_hbm, ie_hbm, ib_hbm, oe_hbm, ob_hbm,
              s_hbm, b_hbm,
              wu_v, wv_v, urows_v, vrows_v, ib_v, ob_v, tmp_v,
              s_loc, b_loc, sem_u, sem_v, sem_b):
    nc = 2
    pw = wu_v.shape[0]
    wid = lax.axis_index("s") * nc + lax.axis_index("c")
    base = wid * pw

    pltpu.sync_copy(wu_hbm.at[pl.ds(base, pw)], wu_v)
    pltpu.sync_copy(wv_hbm.at[pl.ds(base, pw)], wv_v)
    cp_u = pltpu.async_copy(ie_hbm.at[wu_v], urows_v, sem_u)
    cp_v = pltpu.async_copy(oe_hbm.at[wv_v], vrows_v, sem_v)
    cp_ib = pltpu.async_copy(ib_hbm, ib_v, sem_b)
    cp_ob = pltpu.async_copy(ob_hbm, ob_v, sem_b)

    iota = lax.iota(jnp.int32, _L)
    d = urows_v.shape[1]
    nchunk = d // _L

    cp_ib.wait()
    cp_ob.wait()

    def bias_body(g, carry):
        g0 = g * _L
        wu16 = wu_v[pl.ds(g0, _L)]
        wv16 = wv_v[pl.ds(g0, _L)]
        b_loc[pl.ds(g0, _L)] = (plsc.load_gather(ib_v, [wu16])
                                + plsc.load_gather(ob_v, [wv16]))
        return carry

    lax.fori_loop(0, pw // _L, bias_body, 0)
    cp_u.wait()
    cp_v.wait()

    def group_body(g, carry):
        g0 = g * _L
        for p in range(_L):
            r = g0 + p
            acc = urows_v[r, pl.ds(0, _L)] * vrows_v[r, pl.ds(0, _L)]
            for c in range(1, nchunk):
                acc = acc + (urows_v[r, pl.ds(c * _L, _L)]
                             * vrows_v[r, pl.ds(c * _L, _L)])
            tmp_v[p, pl.ds(0, _L)] = acc
        s16 = plsc.load_gather(tmp_v, [iota, jnp.zeros((_L,), jnp.int32)])
        for col in range(1, _L):
            s16 = s16 + plsc.load_gather(
                tmp_v, [iota, jnp.full((_L,), col, jnp.int32)])
        s_loc[pl.ds(g0, _L)] = s16
        return carry

    lax.fori_loop(0, pw // _L, group_body, 0)

    pltpu.sync_copy(s_loc, s_hbm.at[pl.ds(base, pw)])
    pltpu.sync_copy(b_loc, b_hbm.at[pl.ds(base, pw)])


def _make_sc_stage(B, V, D):
    nw = 32
    pw = B // nw
    mesh = plsc.VectorSubcoreMesh(core_axis_name="c", subcore_axis_name="s")
    return pl.kernel(
        _sc_stage,
        out_type=(jax.ShapeDtypeStruct((B,), jnp.float32),
                  jax.ShapeDtypeStruct((B,), jnp.float32)),
        mesh=mesh,
        compiler_params=pltpu.CompilerParams(
            needs_layout_passes=False,
            disable_bounds_checks=True,
            disable_semaphore_checks=True,
        ),
        scratch_types=[
            pltpu.VMEM((pw,), jnp.int32),
            pltpu.VMEM((pw,), jnp.int32),
            pltpu.VMEM((pw, D), jnp.float32),
            pltpu.VMEM((pw, D), jnp.float32),
            pltpu.VMEM((V,), jnp.float32),
            pltpu.VMEM((V,), jnp.float32),
            pltpu.VMEM((_L, _L), jnp.float32),
            pltpu.VMEM((pw,), jnp.float32),
            pltpu.VMEM((pw,), jnp.float32),
            pltpu.SemaphoreType.DMA,
            pltpu.SemaphoreType.DMA,
            pltpu.SemaphoreType.DMA,
        ],
    )


def _bcast_kernel(s_ref, b_ref, o_ref, srow_ref):
    i = pl.program_id(0)
    TI, B = o_ref.shape

    @pl.when(i == 0)
    def _():
        srow_ref[...] = s_ref[...].reshape(1, B)

    ident = (lax.broadcasted_iota(jnp.int32, (TI, TI), 0)
             == lax.broadcasted_iota(jnp.int32, (TI, TI), 1)
             ).astype(jnp.float32)
    brow = b_ref[pl.ds(i * TI, TI)].reshape(1, TI)
    bcol = lax.dot_general(ident, brow, (((1,), (1,)), ((), ())),
                           preferred_element_type=jnp.float32)
    o_ref[...] = bcol + srow_ref[...]


def kernel(word_u, word_v, in_embed_w, in_bias_w, out_embed_w, out_bias_w):
    B = word_u.shape[0]
    V, D = in_embed_w.shape
    wu = word_u.astype(jnp.int32)
    wv = word_v.astype(jnp.int32)

    s, b = _make_sc_stage(B, V, D)(
        wu, wv, in_embed_w, in_bias_w.reshape(V),
        out_embed_w, out_bias_w.reshape(V))

    TI = 256
    return pl.pallas_call(
        _bcast_kernel,
        grid=(B // TI,),
        in_specs=[
            pl.BlockSpec((B,), lambda i: (0,)),
            pl.BlockSpec((B,), lambda i: (0,)),
        ],
        out_specs=pl.BlockSpec((TI, B), lambda i: (i, 0)),
        out_shape=jax.ShapeDtypeStruct((B, B), jnp.float32),
        scratch_shapes=[pltpu.VMEM((1, B), jnp.float32)],
    )(s, b)

# --- scband reference (transcript-rebuilt; emitter-appended) ---
"""Pipeline reference for scband-glo-ve-class-76596446757529 (READ-ONLY COPY).

The authoritative reference and input builder live on the scoring server;
editing this copy changes nothing except your own understanding.
"""

import jax, jax.numpy as jnp
import numpy as np

V = 256
D = 128
B = 4096

def _xavier_normal(key, shape):
    fan_out, fan_in = shape[0], shape[1]
    std = (2.0 / (fan_in + fan_out)) ** 0.5
    return jax.random.normal(key, shape, dtype=jnp.float32) * std

def setup_inputs(seed: int = 0) -> dict:
    key = jax.random.key(seed)
    k1, k2, k3, k4, k5, k6 = jax.random.split(key, 6)
    word_u = jax.random.randint(k1, (B,), 0, V)
    word_v = jax.random.randint(k2, (B,), 0, V)
    in_embed_w = _xavier_normal(k3, (V, D))
    in_bias_w = _xavier_normal(k4, (V, 1))
    out_embed_w = _xavier_normal(k5, (V, D))
    out_bias_w = _xavier_normal(k6, (V, 1))
    return {"word_u": word_u, "word_v": word_v, "in_embed_w": in_embed_w, "in_bias_w": in_bias_w, "out_embed_w": out_embed_w, "out_bias_w": out_bias_w}

def reference(word_u, word_v, in_embed_w, in_bias_w, out_embed_w, out_bias_w):
    word_u_embed = jnp.take(in_embed_w, word_u, axis=0)
    word_u_bias = jnp.take(in_bias_w, word_u, axis=0)
    word_v_embed = jnp.take(out_embed_w, word_v, axis=0)
    word_v_bias = jnp.take(out_bias_w, word_v, axis=0)
    # Faithful to torch broadcasting: [B] + [B,1] + [B,1] -> [B,B]
    out = (word_u_embed * word_v_embed).sum(1) + word_u_bias + word_v_bias
    # torch .squeeze(1) is a no-op when dim 1 != 1
    if out.ndim > 1 and out.shape[1] == 1:
        out = jnp.squeeze(out, axis=1)
    return out

if __name__ == "__main__":
    import jax
    _d = setup_inputs()
    print(jax.jit(kernel)(*tuple(_d.values())))

</pallas_src>

<mosaic_0001>
#map = affine_map<(d0, d1) -> (0)>
#map1 = affine_map<(d0, d1) -> (0, 0)>
module attributes {stable_mosaic.version = 14 : i64} {
  func.func @_sc_stage(%arg0: i32, %arg1: i32, %arg2: memref<4096xi32, #tpu.memory_space<hbm>>, %arg3: memref<4096xi32, #tpu.memory_space<hbm>>, %arg4: memref<256x128xf32, #tpu.memory_space<hbm>>, %arg5: memref<256xf32, #tpu.memory_space<hbm>>, %arg6: memref<256x128xf32, #tpu.memory_space<hbm>>, %arg7: memref<256xf32, #tpu.memory_space<hbm>>, %arg8: memref<4096xf32, #tpu.memory_space<hbm>>, %arg9: memref<4096xf32, #tpu.memory_space<hbm>>, %arg10: memref<128xi32, #tpu.memory_space<vmem>>, %arg11: memref<128xi32, #tpu.memory_space<vmem>>, %arg12: memref<128x128xf32, #tpu.memory_space<vmem>>, %arg13: memref<128x128xf32, #tpu.memory_space<vmem>>, %arg14: memref<256xf32, #tpu.memory_space<vmem>>, %arg15: memref<256xf32, #tpu.memory_space<vmem>>, %arg16: memref<16x16xf32, #tpu.memory_space<vmem>>, %arg17: memref<128xf32, #tpu.memory_space<vmem>>, %arg18: memref<128xf32, #tpu.memory_space<vmem>>, %arg19: memref<!tpu.dma_semaphore, #tpu.memory_space<semaphore_mem>>, %arg20: memref<!tpu.dma_semaphore, #tpu.memory_space<semaphore_mem>>, %arg21: memref<!tpu.dma_semaphore, #tpu.memory_space<semaphore_mem>>) attributes {dimension_semantics = [#tpu.dimension_semantics<core_parallel>, #tpu.dimension_semantics<subcore_parallel>], iteration_bounds = array<i64: 2, 16>, scalar_prefetch = 0 : i64, scratch_operands = 12 : i64, tpu.core_type = #tpu.core_type<sc_vector_subcore>, window_params = [{transform_indices = #map}, {transform_indices = #map}, {transform_indices = #map1}, {transform_indices = #map}, {transform_indices = #map1}, {transform_indices = #map}, {transform_indices = #map}, {transform_indices = #map}]} {
    %mul3A = arith.constant 2 : i32
    %mul3A_0 = arith.muli %arg1, %mul3A : i32
    %add3A = arith.addi %mul3A_0, %arg0 : i32
    %mul3A_1 = arith.constant 128 : i32
    %mul3A_2 = arith.muli %add3A, %mul3A_1 : i32
    "tpu.region"() ({
      %run_scoped3A = tpu.sem_alloc : memref<!tpu.dma_semaphore, #tpu.memory_space<semaphore_mem>>
      %dma_start3A_24 = tpu.memref_slice %arg2[%mul3A_2] : memref<4096xi32, #tpu.memory_space<hbm>> -> memref<128xi32, #tpu.memory_space<hbm>>
      %dma_start3A_25 = tpu.memref_slice %arg2[%mul3A_2] : memref<4096xi32, #tpu.memory_space<hbm>> -> memref<128xi32, #tpu.memory_space<hbm>>
      tpu.enqueue_dma source(%dma_start3A_25 : memref<128xi32, #tpu.memory_space<hbm>>) target(%arg10 : memref<128xi32, #tpu.memory_space<vmem>>) target_semaphore(%run_scoped3A : memref<!tpu.dma_semaphore, #tpu.memory_space<semaphore_mem>>)
      %dma_wait3A_26 = tpu.memref_slice %arg2[%mul3A_2] : memref<4096xi32, #tpu.memory_space<hbm>> -> memref<128xi32, #tpu.memory_space<hbm>>
      %dma_wait3A_27 = tpu.memref_slice %arg2[%mul3A_2] : memref<4096xi32, #tpu.memory_space<hbm>> -> memref<128xi32, #tpu.memory_space<hbm>>
      tpu.wait_dma2 semaphore(%run_scoped3A : memref<!tpu.dma_semaphore, #tpu.memory_space<semaphore_mem>>) src(%dma_wait3A_27 : memref<128xi32, #tpu.memory_space<hbm>>) dst(%arg10 : memref<128xi32, #tpu.memory_space<vmem>>)
      tpu.yield
    }) : () -> ()
    "tpu.region"() ({
      %run_scoped3A = tpu.sem_alloc : memref<!tpu.dma_semaphore, #tpu.memory_space<semaphore_mem>>
      %dma_start3A_24 = tpu.memref_slice %arg3[%mul3A_2] : memref<4096xi32, #tpu.memory_space<hbm>> -> memref<128xi32, #tpu.memory_space<hbm>>
      %dma_start3A_25 = tpu.memref_slice %arg3[%mul3A_2] : memref<4096xi32, #tpu.memory_space<hbm>> -> memref<128xi32, #tpu.memory_space<hbm>>
      tpu.enqueue_dma source(%dma_start3A_25 : memref<128xi32, #tpu.memory_space<hbm>>) target(%arg11 : memref<128xi32, #tpu.memory_space<vmem>>) target_semaphore(%run_scoped3A : memref<!tpu.dma_semaphore, #tpu.memory_space<semaphore_mem>>)
      %dma_wait3A_26 = tpu.memref_slice %arg3[%mul3A_2] : memref<4096xi32, #tpu.memory_space<hbm>> -> memref<128xi32, #tpu.memory_space<hbm>>
      %dma_wait3A_27 = tpu.memref_slice %arg3[%mul3A_2] : memref<4096xi32, #tpu.memory_space<hbm>> -> memref<128xi32, #tpu.memory_space<hbm>>
      tpu.wait_dma2 semaphore(%run_scoped3A : memref<!tpu.dma_semaphore, #tpu.memory_space<semaphore_mem>>) src(%dma_wait3A_27 : memref<128xi32, #tpu.memory_space<hbm>>) dst(%arg11 : memref<128xi32, #tpu.memory_space<vmem>>)
      tpu.yield
    }) : () -> ()
    %dma_start3A = arith.constant 0 : i32
    %dma_start3A_3 = arith.constant 0 : i32
    %dma_start3A_4 = tpu.memref_slice %arg4[%dma_start3A, %dma_start3A_3] : memref<256x128xf32, #tpu.memory_space<hbm>> -> memref<256x128xf32, #tpu.memory_space<hbm>>
    tpu.enqueue_indirect_dma source(%dma_start3A_4 : memref<256x128xf32, #tpu.memory_space<hbm>>) target(%arg12 : memref<128x128xf32, #tpu.memory_space<vmem>>) offsets(%arg10 : memref<128xi32, #tpu.memory_space<vmem>>) semaphore(%arg19 : memref<!tpu.dma_semaphore, #tpu.memory_space<semaphore_mem>>)
    %dma_start3A_5 = arith.constant 0 : i32
    %dma_start3A_6 = arith.constant 0 : i32
    %dma_start3A_7 = tpu.memref_slice %arg6[%dma_start3A_5, %dma_start3A_6] : memref<256x128xf32, #tpu.memory_space<hbm>> -> memref<256x128xf32, #tpu.memory_space<hbm>>
    tpu.enqueue_indirect_dma source(%dma_start3A_7 : memref<256x128xf32, #tpu.memory_space<hbm>>) target(%arg13 : memref<128x128xf32, #tpu.memory_space<vmem>>) offsets(%arg11 : memref<128xi32, #tpu.memory_space<vmem>>) semaphore(%arg20 : memref<!tpu.dma_semaphore, #tpu.memory_space<semaphore_mem>>)
    tpu.enqueue_dma source(%arg5 : memref<256xf32, #tpu.memory_space<hbm>>) target(%arg14 : memref<256xf32, #tpu.memory_space<vmem>>) target_semaphore(%arg21 : memref<!tpu.dma_semaphore, #tpu.memory_space<semaphore_mem>>)
    tpu.enqueue_dma source(%arg7 : memref<256xf32, #tpu.memory_space<hbm>>) target(%arg15 : memref<256xf32, #tpu.memory_space<vmem>>) target_semaphore(%arg21 : memref<!tpu.dma_semaphore, #tpu.memory_space<semaphore_mem>>)
    %iota3A = tpu.iota {dimensions = array<i32: 0>} : vector<16xi32>
    tpu.wait_dma2 semaphore(%arg21 : memref<!tpu.dma_semaphore, #tpu.memory_space<semaphore_mem>>) src(%arg5 : memref<256xf32, #tpu.memory_space<hbm>>) dst(%arg14 : memref<256xf32, #tpu.memory_space<vmem>>)
    tpu.wait_dma2 semaphore(%arg21 : memref<!tpu.dma_semaphore, #tpu.memory_space<semaphore_mem>>) src(%arg7 : memref<256xf32, #tpu.memory_space<hbm>>) dst(%arg15 : memref<256xf32, #tpu.memory_space<vmem>>)
    %scan3A = arith.constant 0 : i32
    %scan3A_8 = arith.constant 0 : i32
    %scan3A_9 = arith.constant 8 : i32
    %scan3A_10 = arith.addi %scan3A_8, %scan3A_9 : i32
    %scan3A_11 = arith.constant 1 : i32
    scf.for %scan3A_24 = %scan3A_8 to %scan3A_10 step %scan3A_11  : i32 {
      %mul3A_25 = arith.constant 16 : i32
      %mul3A_26 = arith.muli %scan3A_24, %mul3A_25 : i32
      %get3A = arith.index_cast %mul3A_26 : i32 to index
      %get3A_27 = tpu.vector_load %arg10[%get3A] {strides = array<i32>} : memref<128xi32, #tpu.memory_space<vmem>>, vector<16xi32>,
      %get3A_28 = arith.index_cast %mul3A_26 : i32 to index
      %get3A_29 = tpu.vector_load %arg11[%get3A_28] {strides = array<i32>} : memref<128xi32, #tpu.memory_space<vmem>>, vector<16xi32>,
      %gather3A = tpu.vector_load_idx %arg14[%get3A_27] : memref<256xf32, #tpu.memory_space<vmem>>[vector<16xi32>], vector<16xf32>,
      %gather3A_30 = tpu.vector_load_idx %arg15[%get3A_29] : memref<256xf32, #tpu.memory_space<vmem>>[vector<16xi32>], vector<16xf32>,
      %add3A_31 = arith.addf %gather3A, %gather3A_30 : vector<16xf32>
      %swap3A = arith.index_cast %mul3A_26 : i32 to index
      %swap3A_32 = tpu.vector_load %arg18[%swap3A] {strides = array<i32>} : memref<128xf32, #tpu.memory_space<vmem>>, vector<16xf32>,
      tpu.vector_store %arg18[%swap3A], %add3A_31 {strides = array<i32>} : memref<128xf32, #tpu.memory_space<vmem>>, vector<16xf32>,
    }
    %scan3A_12 = arith.constant 8 : i32
    %dma_wait3A = arith.constant 0 : i32
    %dma_wait3A_13 = arith.constant 0 : i32
    %dma_wait3A_14 = tpu.memref_slice %arg4[%dma_wait3A, %dma_wait3A_13] : memref<256x128xf32, #tpu.memory_space<hbm>> -> memref<256x128xf32, #tpu.memory_space<hbm>>
    tpu.wait_indirect_dma semaphore(%arg19 : memref<!tpu.dma_semaphore, #tpu.memory_space<semaphore_mem>>) src(%dma_wait3A_14 : memref<256x128xf32, #tpu.memory_space<hbm>>) dst(%arg12 : memref<128x128xf32, #tpu.memory_space<vmem>>)
    %dma_wait3A_15 = arith.constant 0 : i32
    %dma_wait3A_16 = arith.constant 0 : i32
    %dma_wait3A_17 = tpu.memref_slice %arg6[%dma_wait3A_15, %dma_wait3A_16] : memref<256x128xf32, #tpu.memory_space<hbm>> -> memref<256x128xf32, #tpu.memory_space<hbm>>
    tpu.wait_indirect_dma semaphore(%arg20 : memref<!tpu.dma_semaphore, #tpu.memory_space<semaphore_mem>>) src(%dma_wait3A_17 : memref<256x128xf32, #tpu.memory_space<hbm>>) dst(%arg13 : memref<128x128xf32, #tpu.memory_space<vmem>>)
    %scan3A_18 = arith.constant 0 : i32
    %scan3A_19 = arith.constant 0 : i32
    %scan3A_20 = arith.constant 8 : i32
    %scan3A_21 = arith.addi %scan3A_19, %scan3A_20 : i32
    %scan3A_22 = arith.constant 1 : i32
    scf.for %scan3A_24 = %scan3A_19 to %scan3A_21 step %scan3A_22  : i32 {
      %mul3A_25 = arith.constant 16 : i32
      %mul3A_26 = arith.muli %scan3A_24, %mul3A_25 : i32
      %add3A_27 = arith.constant 0 : i32
      %add3A_28 = arith.addi %mul3A_26, %add3A_27 : i32
      %get3A = arith.index_cast %add3A_28 : i32 to index
      %get3A_29 = arith.constant 0 : index
      %get3A_30 = tpu.vector_load %arg12[%get3A, %get3A_29] {strides = array<i32>} : memref<128x128xf32, #tpu.memory_space<vmem>>, vector<16xf32>,
      %get3A_31 = arith.index_cast %add3A_28 : i32 to index
      %get3A_32 = arith.constant 0 : index
      %get3A_33 = tpu.vector_load %arg13[%get3A_31, %get3A_32] {strides = array<i32>} : memref<128x128xf32, #tpu.memory_space<vmem>>, vector<16xf32>,
      %mul3A_34 = arith.mulf %get3A_30, %get3A_33 : vector<16xf32>
      %get3A_35 = arith.index_cast %add3A_28 : i32 to index
      %get3A_36 = arith.constant 16 : index
      %get3A_37 = tpu.vector_load %arg12[%get3A_35, %get3A_36] {strides = array<i32>} : memref<128x128xf32, #tpu.memory_space<vmem>>, vector<16xf32>,
      %get3A_38 = arith.index_cast %add3A_28 : i32 to index
      %get3A_39 = arith.constant 16 : index
      %get3A_40 = tpu.vector_load %arg13[%get3A_38, %get3A_39] {strides = array<i32>} : memref<128x128xf32, #tpu.memory_space<vmem>>, vector<16xf32>,
      %mul3A_41 = arith.mulf %get3A_37, %get3A_40 : vector<16xf32>
      %add3A_42 = arith.addf %mul3A_34, %mul3A_41 : vector<16xf32>
      %get3A_43 = arith.index_cast %add3A_28 : i32 to index
      %get3A_44 = arith.constant 32 : index
      %get3A_45 = tpu.vector_load %arg12[%get3A_43, %get3A_44] {strides = array<i32>} : memref<128x128xf32, #tpu.memory_space<vmem>>, vector<16xf32>,
      %get3A_46 = arith.index_cast %add3A_28 : i32 to index
      %get3A_47 = arith.constant 32 : index
      %get3A_48 = tpu.vector_load %arg13[%get3A_46, %get3A_47] {strides = array<i32>} : memref<128x128xf32, #tpu.memory_space<vmem>>, vector<16xf32>,
      %mul3A_49 = arith.mulf %get3A_45, %get3A_48 : vector<16xf32>
      %add3A_50 = arith.addf %add3A_42, %mul3A_49 : vector<16xf32>
      %get3A_51 = arith.index_cast %add3A_28 : i32 to index
      %get3A_52 = arith.constant 48 : index
      %get3A_53 = tpu.vector_load %arg12[%get3A_51, %get3A_52] {strides = array<i32>} : memref<128x128xf32, #tpu.memory_space<vmem>>, vector<16xf32>,
      %get3A_54 = arith.index_cast %add3A_28 : i32 to index
      %get3A_55 = arith.constant 48 : index
      %get3A_56 = tpu.vector_load %arg13[%get3A_54, %get3A_55] {strides = array<i32>} : memref<128x128xf32, #tpu.memory_space<vmem>>, vector<16xf32>,
      %mul3A_57 = arith.mulf %get3A_53, %get3A_56 : vector<16xf32>
      %add3A_58 = arith.addf %add3A_50, %mul3A_57 : vector<16xf32>
      %get3A_59 = arith.index_cast %add3A_28 : i32 to index
      %get3A_60 = arith.constant 64 : index
      %get3A_61 = tpu.vector_load %arg12[%get3A_59, %get3A_60] {strides = array<i32>} : memref<128x128xf32, #tpu.memory_space<vmem>>, vector<16xf32>,
      %get3A_62 = arith.index_cast %add3A_28 : i32 to index
      %get3A_63 = arith.constant 64 : index
      %get3A_64 = tpu.vector_load %arg13[%get3A_62, %get3A_63] {strides = array<i32>} : memref<128x128xf32, #tpu.memory_space<vmem>>, vector<16xf32>,
      %mul3A_65 = arith.mulf %get3A_61, %get3A_64 : vector<16xf32>
      %add3A_66 = arith.addf %add3A_58, %mul3A_65 : vector<16xf32>
      %get3A_67 = arith.index_cast %add3A_28 : i32 to index
      %get3A_68 = arith.constant 80 : index
      %get3A_69 = tpu.vector_load %arg12[%get3A_67, %get3A_68] {strides = array<i32>} : memref<128x128xf32, #tpu.memory_space<vmem>>, vector<16xf32>,
      %get3A_70 = arith.index_cast %add3A_28 : i32 to index
      %get3A_71 = arith.constant 80 : index
      %get3A_72 = tpu.vector_load %arg13[%get3A_70, %get3A_71] {strides = array<i32>} : memref<128x128xf32, #tpu.memory_space<vmem>>, vector<16xf32>,
      %mul3A_73 = arith.mulf %get3A_69, %get3A_72 : vector<16xf32>
      %add3A_74 = arith.addf %add3A_66, %mul3A_73 : vector<16xf32>
      %get3A_75 = arith.index_cast %add3A_28 : i32 to index
      %get3A_76 = arith.constant 96 : index
      %get3A_77 = tpu.vector_load %arg12[%get3A_75, %get3A_76] {strides = array<i32>} : memref<128x128xf32, #tpu.memory_space<vmem>>, vector<16xf32>,
      %get3A_78 = arith.index_cast %add3A_28 : i32 to index
      %get3A_79 = arith.constant 96 : index
      %get3A_80 = tpu.vector_load %arg13[%get3A_78, %get3A_79] {strides = array<i32>} : memref<128x128xf32, #tpu.memory_space<vmem>>, vector<16xf32>,
      %mul3A_81 = arith.mulf %get3A_77, %get3A_80 : vector<16xf32>
      %add3A_82 = arith.addf %add3A_74, %mul3A_81 : vector<16xf32>
      %get3A_83 = arith.index_cast %add3A_28 : i32 to index
      %get3A_84 = arith.constant 112 : index
      %get3A_85 = tpu.vector_load %arg12[%get3A_83, %get3A_84] {strides = array<i32>} : memref<128x128xf32, #tpu.memory_space<vmem>>, vector<16xf32>,
      %get3A_86 = arith.index_cast %add3A_28 : i32 to index
      %get3A_87 = arith.constant 112 : index
      %get3A_88 = tpu.vector_load %arg13[%get3A_86, %get3A_87] {strides = array<i32>} : memref<128x128xf32, #tpu.memory_space<vmem>>, vector<16xf32>,
      %mul3A_89 = arith.mulf %get3A_85, %get3A_88 : vector<16xf32>
      %add3A_90 = arith.addf %add3A_82, %mul3A_89 : vector<16xf32>
      %swap3A = arith.constant 0 : i32
      %swap3A_91 = arith.index_cast %swap3A : i32 to index
      %swap3A_92 = arith.constant 0 : index
      %swap3A_93 = tpu.vector_load %arg16[%swap3A_91, %swap3A_92] {strides = array<i32>} : memref<16x16xf32, #tpu.memory_space<vmem>>, vector<16xf32>,
      tpu.vector_store %arg16[%swap3A_91, %swap3A_92], %add3A_90 {strides = array<i32>} : memref<16x16xf32, #tpu.memory_space<vmem>>, vector<16xf32>,
      %add3A_94 = arith.constant 1 : i32
      %add3A_95 = arith.addi %mul3A_26, %add3A_94 : i32
      %get3A_96 = arith.index_cast %add3A_95 : i32 to index
      %get3A_97 = arith.constant 0 : index
      %get3A_98 = tpu.vector_load %arg12[%get3A_96, %get3A_97] {strides = array<i32>} : memref<128x128xf32, #tpu.memory_space<vmem>>, vector<16xf32>,
      %get3A_99 = arith.index_cast %add3A_95 : i32 to index
      %get3A_100 = arith.constant 0 : index
      %get3A_101 = tpu.vector_load %arg13[%get3A_99, %get3A_100] {strides = array<i32>} : memref<128x128xf32, #tpu.memory_space<vmem>>, vector<16xf32>,
      %mul3A_102 = arith.mulf %get3A_98, %get3A_101 : vector<16xf32>
      %get3A_103 = arith.index_cast %add3A_95 : i32 to index
      %get3A_104 = arith.constant 16 : index
      %get3A_105 = tpu.vector_load %arg12[%get3A_103, %get3A_104] {strides = array<i32>} : memref<128x128xf32, #tpu.memory_space<vmem>>, vector<16xf32>,
      %get3A_106 = arith.index_cast %add3A_95 : i32 to index
      %get3A_107 = arith.constant 16 : index
      %get3A_108 = tpu.vector_load %arg13[%get3A_106, %get3A_107] {strides = array<i32>} : memref<128x128xf32, #tpu.memory_space<vmem>>, vector<16xf32>,
      %mul3A_109 = arith.mulf %get3A_105, %get3A_108 : vector<16xf32>
      %add3A_110 = arith.addf %mul3A_102, %mul3A_109 : vector<16xf32>
      %get3A_111 = arith.index_cast %add3A_95 : i32 to index
      %get3A_112 = arith.constant 32 : index
      %get3A_113 = tpu.vector_load %arg12[%get3A_111, %get3A_112] {strides = array<i32>} : memref<128x128xf32, #tpu.memory_space<vmem>>, vector<16xf32>,
      %get3A_114 = arith.index_cast %add3A_95 : i32 to index
      %get3A_115 = arith.constant 32 : index
      %get3A_116 = tpu.vector_load %arg13[%get3A_114, %get3A_115] {strides = array<i32>} : memref<128x128xf32, #tpu.memory_space<vmem>>, vector<16xf32>,
      %mul3A_117 = arith.mulf %get3A_113, %get3A_116 : vector<16xf32>
      %add3A_118 = arith.addf %add3A_110, %mul3A_117 : vector<16xf32>
      %get3A_119 = arith.index_cast %add3A_95 : i32 to index
      %get3A_120 = arith.constant 48 : index
      %get3A_121 = tpu.vector_load %arg12[%get3A_119, %get3A_120] {strides = array<i32>} : memref<128x128xf32, #tpu.memory_space<vmem>>, vector<16xf32>,
      %get3A_122 = arith.index_cast %add3A_95 : i32 to index
      %get3A_123 = arith.constant 48 : index
      %get3A_124 = tpu.vector_load %arg13[%get3A_122, %get3A_123] {strides = array<i32>} : memref<128x128xf32, #tpu.memory_space<vmem>>, vector<16xf32>,
      %mul3A_125 = arith.mulf %get3A_121, %get3A_124 : vector<16xf32>
      %add3A_126 = arith.addf %add3A_118, %mul3A_125 : vector<16xf32>
      %get3A_127 = arith.index_cast %add3A_95 : i32 to index
      %get3A_128 = arith.constant 64 : index
      %get3A_129 = tpu.vector_load %arg12[%get3A_127, %get3A_128] {strides = array<i32>} : memref<128x128xf32, #tpu.memory_space<vmem>>, vector<16xf32>,
      %get3A_130 = arith.index_cast %add3A_95 : i32 to index
      %get3A_131 = arith.constant 64 : index
      %get3A_132 = tpu.vector_load %arg13[%get3A_130, %get3A_131] {strides = array<i32>} : memref<128x128xf32, #tpu.memory_space<vmem>>, vector<16xf32>,
      %mul3A_133 = arith.mulf %get3A_129, %get3A_132 : vector<16xf32>
      %add3A_134 = arith.addf %add3A_126, %mul3A_133 : vector<16xf32>
      %get3A_135 = arith.index_cast %add3A_95 : i32 to index
      %get3A_136 = arith.constant 80 : index
      %get3A_137 = tpu.vector_load %arg12[%get3A_135, %get3A_136] {strides = array<i32>} : memref<128x128xf32, #tpu.memory_space<vmem>>, vector<16xf32>,
      %get3A_138 = arith.index_cast %add3A_95 : i32 to index
      %get3A_139 = arith.constant 80 : index
      %get3A_140 = tpu.vector_load %arg13[%get3A_138, %get3A_139] {strides = array<i32>} : memref<128x128xf32, #tpu.memory_space<vmem>>, vector<16xf32>,
      %mul3A_141 = arith.mulf %get3A_137, %get3A_140 : vector<16xf32>
      %add3A_142 = arith.addf %add3A_134, %mul3A_141 : vector<16xf32>
      %get3A_143 = arith.index_cast %add3A_95 : i32 to index
      %get3A_144 = arith.constant 96 : index
      %get3A_145 = tpu.vector_load %arg12[%get3A_143, %get3A_144] {strides = array<i32>} : memref<128x128xf32, #tpu.memory_space<vmem>>, vector<16xf32>,
      %get3A_146 = arith.index_cast %add3A_95 : i32 to index
      %get3A_147 = arith.constant 96 : index
      %get3A_148 = tpu.vector_load %arg13[%get3A_146, %get3A_147] {strides = array<i32>} : memref<128x128xf32, #tpu.memory_space<vmem>>, vector<16xf32>,
      %mul3A_149 = arith.mulf %get3A_145, %get3A_148 : vector<16xf32>
      %add3A_150 = arith.addf %add3A_142, %mul3A_149 : vector<16xf32>
      %get3A_151 = arith.index_cast %add3A_95 : i32 to index
      %get3A_152 = arith.constant 112 : index
      %get3A_153 = tpu.vector_load %arg12[%get3A_151, %get3A_152] {strides = array<i32>} : memref<128x128xf32, #tpu.memory_space<vmem>>, vector<16xf32>,
      %get3A_154 = arith.index_cast %add3A_95 : i32 to index
      %get3A_155 = arith.constant 112 : index
      %get3A_156 = tpu.vector_load %arg13[%get3A_154, %get3A_155] {strides = array<i32>} : memref<128x128xf32, #tpu.memory_space<vmem>>, vector<16xf32>,
      %mul3A_157 = arith.mulf %get3A_153, %get3A_156 : vector<16xf32>
      %add3A_158 = arith.addf %add3A_150, %mul3A_157 : vector<16xf32>
      %swap3A_159 = arith.constant 1 : i32
      %swap3A_160 = arith.index_cast %swap3A_159 : i32 to index
      %swap3A_161 = arith.constant 0 : index
      %swap3A_162 = tpu.vector_load %arg16[%swap3A_160, %swap3A_161] {strides = array<i32>} : memref<16x16xf32, #tpu.memory_space<vmem>>, vector<16xf32>,
      tpu.vector_store %arg16[%swap3A_160, %swap3A_161], %add3A_158 {strides = array<i32>} : memref<16x16xf32, #tpu.memory_space<vmem>>, vector<16xf32>,
      %add3A_163 = arith.constant 2 : i32
      %add3A_164 = arith.addi %mul3A_26, %add3A_163 : i32
      %get3A_165 = arith.index_cast %add3A_164 : i32 to index
      %get3A_166 = arith.constant 0 : index
      %get3A_167 = tpu.vector_load %arg12[%get3A_165, %get3A_166] {strides = array<i32>} : memref<128x128xf32, #tpu.memory_space<vmem>>, vector<16xf32>,
      %get3A_168 = arith.index_cast %add3A_164 : i32 to index
      %get3A_169 = arith.constant 0 : index
      %get3A_170 = tpu.vector_load %arg13[%get3A_168, %get3A_169] {strides = array<i32>} : memref<128x128xf32, #tpu.memory_space<vmem>>, vector<16xf32>,
      %mul3A_171 = arith.mulf %get3A_167, %get3A_170 : vector<16xf32>
      %get3A_172 = arith.index_cast %add3A_164 : i32 to index
      %get3A_173 = arith.constant 16 : index
      %get3A_174 = tpu.vector_load %arg12[%get3A_172, %get3A_173] {strides = array<i32>} : memref<128x128xf32, #tpu.memory_space<vmem>>, vector<16xf32>,
      %get3A_175 = arith.index_cast %add3A_164 : i32 to index
      %get3A_176 = arith.constant 16 : index
      %get3A_177 = tpu.vector_load %arg13[%get3A_175, %get3A_176] {strides = array<i32>} : memref<128x128xf32, #tpu.memory_space<vmem>>, vector<16xf32>,
      %mul3A_178 = arith.mulf %get3A_174, %get3A_177 : vector<16xf32>
      %add3A_179 = arith.addf %mul3A_171, %mul3A_178 : vector<16xf32>
      %get3A_180 = arith.index_cast %add3A_164 : i32 to index
      %get3A_181 = arith.constant 32 : index
      %get3A_182 = tpu.vector_load %arg12[%get3A_180, %get3A_181] {strides = array<i32>} : memref<128x128xf32, #tpu.memory_space<vmem>>, vector<16xf32>,
      %get3A_183 = arith.index_cast %add3A_164 : i32 to index
      %get3A_184 = arith.constant 32 : index
      %get3A_185 = tpu.vector_load %arg13[%get3A_183, %get3A_184] {strides = array<i32>} : memref<128x128xf32, #tpu.memory_space<vmem>>, vector<16xf32>,
      %mul3A_186 = arith.mulf %get3A_182, %get3A_185 : vector<16xf32>
      %add3A_187 = arith.addf %add3A_179, %mul3A_186 : vector<16xf32>
      %get3A_188 = arith.index_cast %add3A_164 : i32 to index
      %get3A_189 = arith.constant 48 : index
      %get3A_190 = tpu.vector_load %arg12[%get3A_188, %get3A_189] {strides = array<i32>} : memref<128x128xf32, #tpu.memory_space<vmem>>, vector<16xf32>,
      %get3A_191 = arith.index_cast %add3A_164 : i32 to index
      %get3A_192 = arith.constant 48 : index
      %get3A_193 = tpu.vector_load %arg13[%get3A_191, %get3A_192] {strides = array<i32>} : memref<128x128xf32, #tpu.memory_space<vmem>>, vector<16xf32>,
      %mul3A_194 = arith.mulf %get3A_190, %get3A_193 : vector<16xf32>
      %add3A_195 = arith.addf %add3A_187, %mul3A_194 : vector<16xf32>
      %get3A_196 = arith.index_cast %add3A_164 : i32 to index
      %get3A_197 = arith.constant 64 : index
      %get3A_198 = tpu.vector_load %arg12[%get3A_196, %get3A_197] {strides = array<i32>} : memref<128x128xf32, #tpu.memory_space<vmem>>, vector<16xf32>,
      %get3A_199 = arith.index_cast %add3A_164 : i32 to index
      %get3A_200 = arith.constant 64 : index
      %get3A_201 = tpu.vector_load %arg13[%get3A_199, %get3A_200] {strides = array<i32>} : memref<128x128xf32, #tpu.memory_space<vmem>>, vector<16xf32>,
      %mul3A_202 = arith.mulf %get3A_198, %get3A_201 : vector<16xf32>
      %add3A_203 = arith.addf %add3A_195, %mul3A_202 : vector<16xf32>
      %get3A_204 = arith.index_cast %add3A_164 : i32 to index
      %get3A_205 = arith.constant 80 : index
      %get3A_206 = tpu.vector_load %arg12[%get3A_204, %get3A_205] {strides = array<i32>} : memref<128x128xf32, #tpu.memory_space<vmem>>, vector<16xf32>,
      %get3A_207 = arith.index_cast %add3A_164 : i32 to index
      %get3A_208 = arith.constant 80 : index
      %get3A_209 = tpu.vector_load %arg13[%get3A_207, %get3A_208] {strides = array<i32>} : memref<128x128xf32, #tpu.memory_space<vmem>>, vector<16xf32>,
      %mul3A_210 = arith.mulf %get3A_206, %get3A_209 : vector<16xf32>
      %add3A_211 = arith.addf %add3A_203, %mul3A_210 : vector<16xf32>
      %get3A_212 = arith.index_cast %add3A_164 : i32 to index
      %get3A_213 = arith.constant 96 : index
      %get3A_214 = tpu.vector_load %arg12[%get3A_212, %get3A_213] {strides = array<i32>} : memref<128x128xf32, #tpu.memory_space<vmem>>, vector<16xf32>,
      %get3A_215 = arith.index_cast %add3A_164 : i32 to index
      %get3A_216 = arith.constant 96 : index
      %get3A_217 = tpu.vector_load %arg13[%get3A_215, %get3A_216] {strides = array<i32>} : memref<128x128xf32, #tpu.memory_space<vmem>>, vector<16xf32>,
      %mul3A_218 = arith.mulf %get3A_214, %get3A_217 : vector<16xf32>
      %add3A_219 = arith.addf %add3A_211, %mul3A_218 : vector<16xf32>
      %get3A_220 = arith.index_cast %add3A_164 : i32 to index
      %get3A_221 = arith.constant 112 : index
      %get3A_222 = tpu.vector_load %arg12[%get3A_220, %get3A_221] {strides = array<i32>} : memref<128x128xf32, #tpu.memory_space<vmem>>, vector<16xf32>,
      %get3A_223 = arith.index_cast %add3A_164 : i32 to index
      %get3A_224 = arith.constant 112 : index
      %get3A_225 = tpu.vector_load %arg13[%get3A_223, %get3A_224] {strides = array<i32>} : memref<128x128xf32, #tpu.memory_space<vmem>>, vector<16xf32>,
      %mul3A_226 = arith.mulf %get3A_222, %get3A_225 : vector<16xf32>
      %add3A_227 = arith.addf %add3A_219, %mul3A_226 : vector<16xf32>
      %swap3A_228 = arith.constant 2 : i32
      %swap3A_229 = arith.index_cast %swap3A_228 : i32 to index
      %swap3A_230 = arith.constant 0 : index
      %swap3A_231 = tpu.vector_load %arg16[%swap3A_229, %swap3A_230] {strides = array<i32>} : memref<16x16xf32, #tpu.memory_space<vmem>>, vector<16xf32>,
      tpu.vector_store %arg16[%swap3A_229, %swap3A_230], %add3A_227 {strides = array<i32>} : memref<16x16xf32, #tpu.memory_space<vmem>>, vector<16xf32>,
      %add3A_232 = arith.constant 3 : i32
      %add3A_233 = arith.addi %mul3A_26, %add3A_232 : i32
      %get3A_234 = arith.index_cast %add3A_233 : i32 to index
      %get3A_235 = arith.constant 0 : index
      %get3A_236 = tpu.vector_load %arg12[%get3A_234, %get3A_235] {strides = array<i32>} : memref<128x128xf32, #tpu.memory_space<vmem>>, vector<16xf32>,
      %get3A_237 = arith.index_cast %add3A_233 : i32 to index
      %get3A_238 = arith.constant 0 : index
      %get3A_239 = tpu.vector_load %arg13[%get3A_237, %get3A_238] {strides = array<i32>} : memref<128x128xf32, #tpu.memory_space<vmem>>, vector<16xf32>,
      %mul3A_240 = arith.mulf %get3A_236, %get3A_239 : vector<16xf32>
      %get3A_241 = arith.index_cast %add3A_233 : i32 to index
      %get3A_242 = arith.constant 16 : index
      %get3A_243 = tpu.vector_load %arg12[%get3A_241, %get3A_242] {strides = array<i32>} : memref<128x128xf32, #tpu.memory_space<vmem>>, vector<16xf32>,
      %get3A_244 = arith.index_cast %add3A_233 : i32 to index
      %get3A_245 = arith.constant 16 : index
      %get3A_246 = tpu.vector_load %arg13[%get3A_244, %get3A_245] {strides = array<i32>} : memref<128x128xf32, #tpu.memory_space<vmem>>, vector<16xf32>,
      %mul3A_247 = arith.mulf %get3A_243, %get3A_246 : vector<16xf32>
      %add3A_248 = arith.addf %mul3A_240, %mul3A_247 : vector<16xf32>
      %get3A_249 = arith.index_cast %add3A_233 : i32 to index
      %get3A_250 = arith.constant 32 : index
      %get3A_251 = tpu.vector_load %arg12[%get3A_249, %get3A_250] {strides = array<i32>} : memref<128x128xf32, #tpu.memory_space<vmem>>, vector<16xf32>,
      %get3A_252 = arith.index_cast %add3A_233 : i32 to index
      %get3A_253 = arith.constant 32 : index
      %get3A_254 = tpu.vector_load %arg13[%get3A_252, %get3A_253] {strides = array<i32>} : memref<128x128xf32, #tpu.memory_space<vmem>>, vector<16xf32>,
      %mul3A_255 = arith.mulf %get3A_251, %get3A_254 : vector<16xf32>
      %add3A_256 = arith.addf %add3A_248, %mul3A_255 : vector<16xf32>
      %get3A_257 = arith.index_cast %add3A_233 : i32 to index
      %get3A_258 = arith.constant 48 : index
      %get3A_259 = tpu.vector_load %arg12[%get3A_257, %get3A_258] {strides = array<i32>} : memref<128x128xf32, #tpu.memory_space<vmem>>, vector<16xf32>,
      %get3A_260 = arith.index_cast %add3A_233 : i32 to index
      %get3A_261 = arith.constant 48 : index
      %get3A_262 = tpu.vector_load %arg13[%get3A_260, %get3A_261] {strides = array<i32>} : memref<128x128xf32, #tpu.memory_space<vmem>>, vector<16xf32>,
      %mul3A_263 = arith.mulf %get3A_259, %get3A_262 : vector<16xf32>
      %add3A_264 = arith.addf %add3A_256, %mul3A_263 : vector<16xf32>
      %get3A_265 = arith.index_cast %add3A_233 : i32 to index
      %get3A_266 = arith.constant 64 : index
      %get3A_267 = tpu.vector_load %arg12[%get3A_265, %get3A_266] {strides = array<i32>} : memref<128x128xf32, #tpu.memory_space<vmem>>, vector<16xf32>,
      %get3A_268 = arith.index_cast %add3A_233 : i32 to index
      %get3A_269 = arith.constant 64 : index
      %get3A_270 = tpu.vector_load %arg13[%get3A_268, %get3A_269] {strides = array<i32>} : memref<128x128xf32, #tpu.memory_space<vmem>>, vector<16xf32>,
      %mul3A_271 = arith.mulf %get3A_267, %get3A_270 : vector<16xf32>
      %add3A_272 = arith.addf %add3A_264, %mul3A_271 : vector<16xf32>
      %get3A_273 = arith.index_cast %add3A_233 : i32 to index
      %get3A_274 = arith.constant 80 : index
      %get3A_275 = tpu.vector_load %arg12[%get3A_273, %get3A_274] {strides = array<i32>} : memref<128x128xf32, #tpu.memory_space<vmem>>, vector<16xf32>,
      %get3A_276 = arith.index_cast %add3A_233 : i32 to index
      %get3A_277 = arith.constant 80 : index
      %get3A_278 = tpu.vector_load %arg13[%get3A_276, %get3A_277] {strides = array<i32>} : memref<128x128xf32, #tpu.memory_space<vmem>>, vector<16xf32>,
      %mul3A_279 = arith.mulf %get3A_275, %get3A_278 : vector<16xf32>
      %add3A_280 = arith.addf %add3A_272, %mul3A_279 : vector<16xf32>
      %get3A_281 = arith.index_cast %add3A_233 : i32 to index
      %get3A_282 = arith.constant 96 : index
      %get3A_283 = tpu.vector_load %arg12[%get3A_281, %get3A_282] {strides = array<i32>} : memref<128x128xf32, #tpu.memory_space<vmem>>, vector<16xf32>,
      %get3A_284 = arith.index_cast %add3A_233 : i32 to index
      %get3A_285 = arith.constant 96 : index
      %get3A_286 = tpu.vector_load %arg13[%get3A_284, %get3A_285] {strides = array<i32>} : memref<128x128xf32, #tpu.memory_space<vmem>>, vector<16xf32>,
      %mul3A_287 = arith.mulf %get3A_283, %get3A_286 : vector<16xf32>
      %add3A_288 = arith.addf %add3A_280, %mul3A_287 : vector<16xf32>
      %get3A_289 = arith.index_cast %add3A_233 : i32 to index
      %get3A_290 = arith.constant 112 : index
      %get3A_291 = tpu.vector_load %arg12[%get3A_289, %get3A_290] {strides = array<i32>} : memref<128x128xf32, #tpu.memory_space<vmem>>, vector<16xf32>,
      %get3A_292 = arith.index_cast %add3A_233 : i32 to index
      %get3A_293 = arith.constant 112 : index
      %get3A_294 = tpu.vector_load %arg13[%get3A_292, %get3A_293] {strides = array<i32>} : memref<128x128xf32, #tpu.memory_space<vmem>>, vector<16xf32>,
      %mul3A_295 = arith.mulf %get3A_291, %get3A_294 : vector<16xf32>
      %add3A_296 = arith.addf %add3A_288, %mul3A_295 : vector<16xf32>
      %swap3A_297 = arith.constant 3 : i32
      %swap3A_298 = arith.index_cast %swap3A_297 : i32 to index
      %swap3A_299 = arith.constant 0 : index
      %swap3A_300 = tpu.vector_load %arg16[%swap3A_298, %swap3A_299] {strides = array<i32>} : memref<16x16xf32, #tpu.memory_space<vmem>>, vector<16xf32>,
      tpu.vector_store %arg16[%swap3A_298, %swap3A_299], %add3A_296 {strides = array<i32>} : memref<16x16xf32, #tpu.memory_space<vmem>>, vector<16xf32>,
      %add3A_301 = arith.constant 4 : i32
      %add3A_302 = arith.addi %mul3A_26, %add3A_301 : i32
      %get3A_303 = arith.index_cast %add3A_302 : i32 to index
      %get3A_304 = arith.constant 0 : index
      %get3A_305 = tpu.vector_load %arg12[%get3A_303, %get3A_304] {strides = array<i32>} : memref<128x128xf32, #tpu.memory_space<vmem>>, vector<16xf32>,
      %get3A_306 = arith.index_cast %add3A_302 : i32 to index
      %get3A_307 = arith.constant 0 : index
      %get3A_308 = tpu.vector_load %arg13[%get3A_306, %get3A_307] {strides = array<i32>} : memref<128x128xf32, #tpu.memory_space<vmem>>, vector<16xf32>,
      %mul3A_309 = arith.mulf %get3A_305, %get3A_308 : vector<16xf32>
      %get3A_310 = arith.index_cast %add3A_302 : i32 to index
      %get3A_311 = arith.constant 16 : index
      %get3A_312 = tpu.vector_load %arg12[%get3A_310, %get3A_311] {strides = array<i32>} : memref<128x128xf32, #tpu.memory_space<vmem>>, vector<16xf32>,
      %get3A_313 = arith.index_cast %add3A_302 : i32 to index
      %get3A_314 = arith.constant 16 : index
      %get3A_315 = tpu.vector_load %arg13[%get3A_313, %get3A_314] {strides = array<i32>} : memref<128x128xf32, #tpu.memory_space<vmem>>, vector<16xf32>,
      %mul3A_316 = arith.mulf %get3A_312, %get3A_315 : vector<16xf32>
      %add3A_317 = arith.addf %mul3A_309, %mul3A_316 : vector<16xf32>
      %get3A_318 = arith.index_cast %add3A_302 : i32 to index
      %get3A_319 = arith.constant 32 : index
      %get3A_320 = tpu.vector_load %arg12[%get3A_318, %get3A_319] {strides = array<i32>} : memref<128x128xf32, #tpu.memory_space<vmem>>, vector<16xf32>,
      %get3A_321 = arith.index_cast %add3A_302 : i32 to index
      %get3A_322 = arith.constant 32 : index
      %get3A_323 = tpu.vector_load %arg13[%get3A_321, %get3A_322] {strides = array<i32>} : memref<128x128xf32, #tpu.memory_space<vmem>>, vector<16xf32>,
      %mul3A_324 = arith.mulf %get3A_320, %get3A_323 : vector<16xf32>
      %add3A_325 = arith.addf %add3A_317, %mul3A_324 : vector<16xf32>
      %get3A_326 = arith.index_cast %add3A_302 : i32 to index
      %get3A_327 = arith.constant 48 : index
      %get3A_328 = tpu.vector_load %arg12[%get3A_326, %get3A_327] {strides = array<i32>} : memref<128x128xf32, #tpu.memory_space<vmem>>, vector<16xf32>,
      %get3A_329 = arith.index_cast %add3A_302 : i32 to index
      %get3A_330 = arith.constant 48 : index
      %get3A_331 = tpu.vector_load %arg13[%get3A_329, %get3A_330] {strides = array<i32>} : memref<128x128xf32, #tpu.memory_space<vmem>>, vector<16xf32>,
      %mul3A_332 = arith.mulf %get3A_328, %get3A_331 : vector<16xf32>
      %add3A_333 = arith.addf %add3A_325, %mul3A_332 : vector<16xf32>
      %get3A_334 = arith.index_cast %add3A_302 : i32 to index
      %get3A_335 = arith.constant 64 : index
      %get3A_336 = tpu.vector_load %arg12[%get3A_334, %get3A_335] {strides = array<i32>} : memref<128x128xf32, #tpu.memory_space<vmem>>, vector<16xf32>,
      %get3A_337 = arith.index_cast %add3A_302 : i32 to index
      %get3A_338 = arith.constant 64 : index
      %get3A_339 = tpu.vector_load %arg13[%get3A_337, %get3A_338] {strides = array<i32>} : memref<128x128xf32, #tpu.memory_space<vmem>>, vector<16xf32>,
      %mul3A_340 = arith.mulf %get3A_336, %get3A_339 : vector<16xf32>
      %add3A_341 = arith.addf %add3A_333, %mul3A_340 : vector<16xf32>
      %get3A_342 = arith.index_cast %add3A_302 : i32 to index
      %get3A_343 = arith.constant 80 : index
      %get3A_344 = tpu.vector_load %arg12[%get3A_342, %get3A_343] {strides = array<i32>} : memref<128x128xf32, #tpu.memory_space<vmem>>, vector<16xf32>,
      %get3A_345 = arith.index_cast %add3A_302 : i32 to index
      %get3A_346 = arith.constant 80 : index
      %get3A_347 = tpu.vector_load %arg13[%get3A_345, %get3A_346] {strides = array<i32>} : memref<128x128xf32, #tpu.memory_space<vmem>>, vector<16xf32>,
      %mul3A_348 = arith.mulf %get3A_344, %get3A_347 : vector<16xf32>
      %add3A_349 = arith.addf %add3A_341, %mul3A_348 : vector<16xf32>
      %get3A_350 = arith.index_cast %add3A_302 : i32 to index
      %get3A_351 = arith.constant 96 : index
      %get3A_352 = tpu.vector_load %arg12[%get3A_350, %get3A_351] {strides = array<i32>} : memref<128x128xf32, #tpu.memory_space<vmem>>, vector<16xf32>,
      %get3A_353 = arith.index_cast %add3A_302 : i32 to index
      %get3A_354 = arith.constant 96 : index
      %get3A_355 = tpu.vector_load %arg13[%get3A_353, %get3A_354] {strides = array<i32>} : memref<128x128xf32, #tpu.memory_space<vmem>>, vector<16xf32>,
      %mul3A_356 = arith.mulf %get3A_352, %get3A_355 : vector<16xf32>
      %add3A_357 = arith.addf %add3A_349, %mul3A_356 : vector<16xf32>
      %get3A_358 = arith.index_cast %add3A_302 : i32 to index
      %get3A_359 = arith.constant 112 : index
      %get3A_360 = tpu.vector_load %arg12[%get3A_358, %get3A_359] {strides = array<i32>} : memref<128x128xf32, #tpu.memory_space<vmem>>, vector<16xf32>,
      %get3A_361 = arith.index_cast %add3A_302 : i32 to index
      %get3A_362 = arith.constant 112 : index
      %get3A_363 = tpu.vector_load %arg13[%get3A_361, %get3A_362] {strides = array<i32>} : memref<128x128xf32, #tpu.memory_space<vmem>>, vector<16xf32>,
      %mul3A_364 = arith.mulf %get3A_360, %get3A_363 : vector<16xf32>
      %add3A_365 = arith.addf %add3A_357, %mul3A_364 : vector<16xf32>
      %swap3A_366 = arith.constant 4 : i32
      %swap3A_367 = arith.index_cast %swap3A_366 : i32 to index
      %swap3A_368 = arith.constant 0 : index
      %swap3A_369 = tpu.vector_load %arg16[%swap3A_367, %swap3A_368] {strides = array<i32>} : memref<16x16xf32, #tpu.memory_space<vmem>>, vector<16xf32>,
      tpu.vector_store %arg16[%swap3A_367, %swap3A_368], %add3A_365 {strides = array<i32>} : memref<16x16xf32, #tpu.memory_space<vmem>>, vector<16xf32>,
      %add3A_370 = arith.constant 5 : i32
      %add3A_371 = arith.addi %mul3A_26, %add3A_370 : i32
      %get3A_372 = arith.index_cast %add3A_371 : i32 to index
      %get3A_373 = arith.constant 0 : index
      %get3A_374 = tpu.vector_load %arg12[%get3A_372, %get3A_373] {strides = array<i32>} : memref<128x128xf32, #tpu.memory_space<vmem>>, vector<16xf32>,
      %get3A_375 = arith.index_cast %add3A_371 : i32 to index
      %get3A_376 = arith.constant 0 : index
      %get3A_377 = tpu.vector_load %arg13[%get3A_375, %get3A_376] {strides = array<i32>} : memref<128x128xf32, #tpu.memory_space<vmem>>, vector<16xf32>,
      %mul3A_378 = arith.mulf %get3A_374, %get3A_377 : vector<16xf32>
      %get3A_379 = arith.index_cast %add3A_371 : i32 to index
      %get3A_380 = arith.constant 16 : index
      %get3A_381 = tpu.vector_load %arg12[%get3A_379, %get3A_380] {strides = array<i32>} : memref<128x128xf32, #tpu.memory_space<vmem>>, vector<16xf32>,
      %get3A_382 = arith.index_cast %add3A_371 : i32 to index
      %get3A_383 = arith.constant 16 : index
      %get3A_384 = tpu.vector_load %arg13[%get3A_382, %get3A_383] {strides = array<i32>} : memref<128x128xf32, #tpu.memory_space<vmem>>, vector<16xf32>,
      %mul3A_385 = arith.mulf %get3A_381, %get3A_384 : vector<16xf32>
      %add3A_386 = arith.addf %mul3A_378, %mul3A_385 : vector<16xf32>
      %get3A_387 = arith.index_cast %add3A_371 : i32 to index
      %get3A_388 = arith.constant 32 : index
      %get3A_389 = tpu.vector_load %arg12[%get3A_387, %get3A_388] {strides = array<i32>} : memref<128x128xf32, #tpu.memory_space<vmem>>, vector<16xf32>,
      %get3A_390 = arith.index_cast %add3A_371 : i32 to index
      %get3A_391 = arith.constant 32 : index
      %get3A_392 = tpu.vector_load %arg13[%get3A_390, %get3A_391] {strides = array<i32>} : memref<128x128xf32, #tpu.memory_space<vmem>>, vector<16xf32>,
      %mul3A_393 = arith.mulf %get3A_389, %get3A_392 : vector<16xf32>
      %add3A_394 = arith.addf %add3A_386, %mul3A_393 : vector<16xf32>
      %get3A_395 = arith.index_cast %add3A_371 : i32 to index
      %get3A_396 = arith.constant 48 : index
      %get3A_397 = tpu.vector_load %arg12[%get3A_395, %get3A_396] {strides = array<i32>} : memref<128x128xf32, #tpu.memory_space<vmem>>, vector<16xf32>,
      %get3A_398 = arith.index_cast %add3A_371 : i32 to index
      %get3A_399 = arith.constant 48 : index
      %get3A_400 = tpu.vector_load %arg13[%get3A_398, %get3A_399] {strides = array<i32>} : memref<128x128xf32, #tpu.memory_space<vmem>>, vector<16xf32>,
      %mul3A_401 = arith.mulf %get3A_397, %get3A_400 : vector<16xf32>
      %add3A_402 = arith.addf %add3A_394, %mul3A_401 : vector<16xf32>
      %get3A_403 = arith.index_cast %add3A_371 : i32 to index
      %get3A_404 = arith.constant 64 : index
      %get3A_405 = tpu.vector_load %arg12[%get3A_403, %get3A_404] {strides = array<i32>} : memref<128x128xf32, #tpu.memory_space<vmem>>, vector<16xf32>,
      %get3A_406 = arith.index_cast %add3A_371 : i32 to index
      %get3A_407 = arith.constant 64 : index
      %get3A_408 = tpu.vector_load %arg13[%get3A_406, %get3A_407] {strides = array<i32>} : memref<128x128xf32, #tpu.memory_space<vmem>>, vector<16xf32>,
      %mul3A_409 = arith.mulf %get3A_405, %get3A_408 : vector<16xf32>
      %add3A_410 = arith.addf %add3A_402, %mul3A_409 : vector<16xf32>
      %get3A_411 = arith.index_cast %add3A_371 : i32 to index
      %get3A_412 = arith.constant 80 : index
      %get3A_413 = tpu.vector_load %arg12[%get3A_411, %get3A_412] {strides = array<i32>} : memref<128x128xf32, #tpu.memory_space<vmem>>, vector<16xf32>,
      %get3A_414 = arith.index_cast %add3A_371 : i32 to index
      %get3A_415 = arith.constant 80 : index
      %get3A_416 = tpu.vector_load %arg13[%get3A_414, %get3A_415] {strides = array<i32>} : memref<128x128xf32, #tpu.memory_space<vmem>>, vector<16xf32>,
      %mul3A_417 = arith.mulf %get3A_413, %get3A_416 : vector<16xf32>
      %add3A_418 = arith.addf %add3A_410, %mul3A_417 : vector<16xf32>
      %get3A_419 = arith.index_cast %add3A_371 : i32 to index
      %get3A_420 = arith.constant 96 : index
      %get3A_421 = tpu.vector_load %arg12[%get3A_419, %get3A_420] {strides = array<i32>} : memref<128x128xf32, #tpu.memory_space<vmem>>, vector<16xf32>,
      %get3A_422 = arith.index_cast %add3A_371 : i32 to index
      %get3A_423 = arith.constant 96 : index
      %get3A_424 = tpu.vector_load %arg13[%get3A_422, %get3A_423] {strides = array<i32>} : memref<128x128xf32, #tpu.memory_space<vmem>>, vector<16xf32>,
      %mul3A_425 = arith.mulf %get3A_421, %get3A_424 : vector<16xf32>
      %add3A_426 = arith.addf %add3A_418, %mul3A_425 : vector<16xf32>
      %get3A_427 = arith.index_cast %add3A_371 : i32 to index
      %get3A_428 = arith.constant 112 : index
      %get3A_429 = tpu.vector_load %arg12[%get3A_427, %get3A_428] {strides = array<i32>} : memref<128x128xf32, #tpu.memory_space<vmem>>, vector<16xf32>,
      %get3A_430 = arith.index_cast %add3A_371 : i32 to index
      %get3A_431 = arith.constant 112 : index
      %get3A_432 = tpu.vector_load %arg13[%get3A_430, %get3A_431] {strides = array<i32>} : memref<128x128xf32, #tpu.memory_space<vmem>>, vector<16xf32>,
      %mul3A_433 = arith.mulf %get3A_429, %get3A_432 : vector<16xf32>
      %add3A_434 = arith.addf %add3A_426, %mul3A_433 : vector<16xf32>
      %swap3A_435 = arith.constant 5 : i32
      %swap3A_436 = arith.index_cast %swap3A_435 : i32 to index
      %swap3A_437 = arith.constant 0 : index
      %swap3A_438 = tpu.vector_load %arg16[%swap3A_436, %swap3A_437] {strides = array<i32>} : memref<16x16xf32, #tpu.memory_space<vmem>>, vector<16xf32>,
      tpu.vector_store %arg16[%swap3A_436, %swap3A_437], %add3A_434 {strides = array<i32>} : memref<16x16xf32, #tpu.memory_space<vmem>>, vector<16xf32>,
      %add3A_439 = arith.constant 6 : i32
      %add3A_440 = arith.addi %mul3A_26, %add3A_439 : i32
      %get3A_441 = arith.index_cast %add3A_440 : i32 to index
      %get3A_442 = arith.constant 0 : index
      %get3A_443 = tpu.vector_load %arg12[%get3A_441, %get3A_442] {strides = array<i32>} : memref<128x128xf32, #tpu.memory_space<vmem>>, vector<16xf32>,
      %get3A_444 = arith.index_cast %add3A_440 : i32 to index
      %get3A_445 = arith.constant 0 : index
      %get3A_446 = tpu.vector_load %arg13[%get3A_444, %get3A_445] {strides = array<i32>} : memref<128x128xf32, #tpu.memory_space<vmem>>, vector<16xf32>,
      %mul3A_447 = arith.mulf %get3A_443, %get3A_446 : vector<16xf32>
      %get3A_448 = arith.index_cast %add3A_440 : i32 to index
      %get3A_449 = arith.constant 16 : index
      %get3A_450 = tpu.vector_load %arg12[%get3A_448, %get3A_449] {strides = array<i32>} : memref<128x128xf32, #tpu.memory_space<vmem>>, vector<16xf32>,
      %get3A_451 = arith.index_cast %add3A_440 : i32 to index
      %get3A_452 = arith.constant 16 : index
      %get3A_453 = tpu.vector_load %arg13[%get3A_451, %get3A_452] {strides = array<i32>} : memref<128x128xf32, #tpu.memory_space<vmem>>, vector<16xf32>,
      %mul3A_454 = arith.mulf %get3A_450, %get3A_453 : vector<16xf32>
      %add3A_455 = arith.addf %mul3A_447, %mul3A_454 : vector<16xf32>
      %get3A_456 = arith.index_cast %add3A_440 : i32 to index
      %get3A_457 = arith.constant 32 : index
      %get3A_458 = tpu.vector_load %arg12[%get3A_456, %get3A_457] {strides = array<i32>} : memref<128x128xf32, #tpu.memory_space<vmem>>, vector<16xf32>,
      %get3A_459 = arith.index_cast %add3A_440 : i32 to index
      %get3A_460 = arith.constant 32 : index
      %get3A_461 = tpu.vector_load %arg13[%get3A_459, %get3A_460] {strides = array<i32>} : memref<128x128xf32, #tpu.memory_space<vmem>>, vector<16xf32>,
      %mul3A_462 = arith.mulf %get3A_458, %get3A_461 : vector<16xf32>
      %add3A_463 = arith.addf %add3A_455, %mul3A_462 : vector<16xf32>
      %get3A_464 = arith.index_cast %add3A_440 : i32 to index
      %get3A_465 = arith.constant 48 : index
      %get3A_466 = tpu.vector_load %arg12[%get3A_464, %get3A_465] {strides = array<i32>} : memref<128x128xf32, #tpu.memory_space<vmem>>, vector<16xf32>,
      %get3A_467 = arith.index_cast %add3A_440 : i32 to index
      %get3A_468 = arith.constant 48 : index
      %get3A_469 = tpu.vector_load %arg13[%get3A_467, %get3A_468] {strides = array<i32>} : memref<128x128xf32, #tpu.memory_space<vmem>>, vector<16xf32>,
      %mul3A_470 = arith.mulf %get3A_466, %get3A_469 : vector<16xf32>
      %add3A_471 = arith.addf %add3A_463, %mul3A_470 : vector<16xf32>
      %get3A_472 = arith.index_cast %add3A_440 : i32 to index
      %get3A_473 = arith.constant 64 : index
      %get3A_474 = tpu.vector_load %arg12[%get3A_472, %get3A_473] {strides = array<i32>} : memref<128x128xf32, #tpu.memory_space<vmem>>, vector<16xf32>,
      %get3A_475 = arith.index_cast %add3A_440 : i32 to index
      %get3A_476 = arith.constant 64 : index
      %get3A_477 = tpu.vector_load %arg13[%get3A_475, %get3A_476] {strides = array<i32>} : memref<128x128xf32, #tpu.memory_space<vmem>>, vector<16xf32>,
      %mul3A_478 = arith.mulf %get3A_474, %get3A_477 : vector<16xf32>
      %add3A_479 = arith.addf %add3A_471, %mul3A_478 : vector<16xf32>
      %get3A_480 = arith.index_cast %add3A_440 : i32 to index
      %get3A_481 = arith.constant 80 : index
      %get3A_482 = tpu.vector_load %arg12[%get3A_480, %get3A_481] {strides = array<i32>} : memref<128x128xf32, #tpu.memory_space<vmem>>, vector<16xf32>,
      %get3A_483 = arith.index_cast %add3A_440 : i32 to index
      %get3A_484 = arith.constant 80 : index
      %get3A_485 = tpu.vector_load %arg13[%get3A_483, %get3A_484] {strides = array<i32>} : memref<128x128xf32, #tpu.memory_space<vmem>>, vector<16xf32>,
      %mul3A_486 = arith.mulf %get3A_482, %get3A_485 : vector<16xf32>
      %add3A_487 = arith.addf %add3A_479, %mul3A_486 : vector<16xf32>
      %get3A_488 = arith.index_cast %add3A_440 : i32 to index
      %get3A_489 = arith.constant 96 : index
      %get3A_490 = tpu.vector_load %arg12[%get3A_488, %get3A_489] {strides = array<i32>} : memref<128x128xf32, #tpu.memory_space<vmem>>, vector<16xf32>,
      %get3A_491 = arith.index_cast %add3A_440 : i32 to index
      %get3A_492 = arith.constant 96 : index
      %get3A_493 = tpu.vector_load %arg13[%get3A_491, %get3A_492] {strides = array<i32>} : memref<128x128xf32, #tpu.memory_space<vmem>>, vector<16xf32>,
      %mul3A_494 = arith.mulf %get3A_490, %get3A_493 : vector<16xf32>
      %add3A_495 = arith.addf %add3A_487, %mul3A_494 : vector<16xf32>
      %get3A_496 = arith.index_cast %add3A_440 : i32 to index
      %get3A_497 = arith.constant 112 : index
      %get3A_498 = tpu.vector_load %arg12[%get3A_496, %get3A_497] {strides = array<i32>} : memref<128x128xf32, #tpu.memory_space<vmem>>, vector<16xf32>,
      %get3A_499 = arith.index_cast %add3A_440 : i32 to index
      %get3A_500 = arith.constant 112 : index
      %get3A_501 = tpu.vector_load %arg13[%get3A_499, %get3A_500] {strides = array<i32>} : memref<128x128xf32, #tpu.memory_space<vmem>>, vector<16xf32>,
      %mul3A_502 = arith.mulf %get3A_498, %get3A_501 : vector<16xf32>
      %add3A_503 = arith.addf %add3A_495, %mul3A_502 : vector<16xf32>
      %swap3A_504 = arith.constant 6 : i32
      %swap3A_505 = arith.index_cast %swap3A_504 : i32 to index
      %swap3A_506 = arith.constant 0 : index
      %swap3A_507 = tpu.vector_load %arg16[%swap3A_505, %swap3A_506] {strides = array<i32>} : memref<16x16xf32, #tpu.memory_space<vmem>>, vector<16xf32>,
      tpu.vector_store %arg16[%swap3A_505, %swap3A_506], %add3A_503 {strides = array<i32>} : memref<16x16xf32, #tpu.memory_space<vmem>>, vector<16xf32>,
      %add3A_508 = arith.constant 7 : i32
      %add3A_509 = arith.addi %mul3A_26, %add3A_508 : i32
      %get3A_510 = arith.index_cast %add3A_509 : i32 to index
      %get3A_511 = arith.constant 0 : index
      %get3A_512 = tpu.vector_load %arg12[%get3A_510, %get3A_511] {strides = array<i32>} : memref<128x128xf32, #tpu.memory_space<vmem>>, vector<16xf32>,
      %get3A_513 = arith.index_cast %add3A_509 : i32 to index
      %get3A_514 = arith.constant 0 : index
      %get3A_515 = tpu.vector_load %arg13[%get3A_513, %get3A_514] {strides = array<i32>} : memref<128x128xf32, #tpu.memory_space<vmem>>, vector<16xf32>,
      %mul3A_516 = arith.mulf %get3A_512, %get3A_515 : vector<16xf32>
      %get3A_517 = arith.index_cast %add3A_509 : i32 to index
      %get3A_518 = arith.constant 16 : index
      %get3A_519 = tpu.vector_load %arg12[%get3A_517, %get3A_518] {strides = array<i32>} : memref<128x128xf32, #tpu.memory_space<vmem>>, vector<16xf32>,
      %get3A_520 = arith.index_cast %add3A_509 : i32 to index
      %get3A_521 = arith.constant 16 : index
      %get3A_522 = tpu.vector_load %arg13[%get3A_520, %get3A_521] {strides = array<i32>} : memref<128x128xf32, #tpu.memory_space<vmem>>, vector<16xf32>,
      %mul3A_523 = arith.mulf %get3A_519, %get3A_522 : vector<16xf32>
      %add3A_524 = arith.addf %mul3A_516, %mul3A_523 : vector<16xf32>
      %get3A_525 = arith.index_cast %add3A_509 : i32 to index
      %get3A_526 = arith.constant 32 : index
      %get3A_527 = tpu.vector_load %arg12[%get3A_525, %get3A_526] {strides = array<i32>} : memref<128x128xf32, #tpu.memory_space<vmem>>, vector<16xf32>,
      %get3A_528 = arith.index_cast %add3A_509 : i32 to index
      %get3A_529 = arith.constant 32 : index
      %get3A_530 = tpu.vector_load %arg13[%get3A_528, %get3A_529] {strides = array<i32>} : memref<128x128xf32, #tpu.memory_space<vmem>>, vector<16xf32>,
      %mul3A_531 = arith.mulf %get3A_527, %get3A_530 : vector<16xf32>
      %add3A_532 = arith.addf %add3A_524, %mul3A_531 : vector<16xf32>
      %get3A_533 = arith.index_cast %add3A_509 : i32 to index
      %get3A_534 = arith.constant 48 : index
      %get3A_535 = tpu.vector_load %arg12[%get3A_533, %get3A_534] {strides = array<i32>} : memref<128x128xf32, #tpu.memory_space<vmem>>, vector<16xf32>,
      %get3A_536 = arith.index_cast %add3A_509 : i32 to index
      %get3A_537 = arith.constant 48 : index
      %get3A_538 = tpu.vector_load %arg13[%get3A_536, %get3A_537] {strides = array<i32>} : memref<128x128xf32, #tpu.memory_space<vmem>>, vector<16xf32>,
      %mul3A_539 = arith.mulf %get3A_535, %get3A_538 : vector<16xf32>
      %add3A_540 = arith.addf %add3A_532, %mul3A_539 : vector<16xf32>
      %get3A_541 = arith.index_cast %add3A_509 : i32 to index
      %get3A_542 = arith.constant 64 : index
      %get3A_543 = tpu.vector_load %arg12[%get3A_541, %get3A_542] {strides = array<i32>} : memref<128x128xf32, #tpu.memory_space<vmem>>, vector<16xf32>,
      %get3A_544 = arith.index_cast %add3A_509 : i32 to index
      %get3A_545 = arith.constant 64 : index
      %get3A_546 = tpu.vector_load %arg13[%get3A_544, %get3A_545] {strides = array<i32>} : memref<128x128xf32, #tpu.memory_space<vmem>>, vector<16xf32>,
      %mul3A_547 = arith.mulf %get3A_543, %get3A_546 : vector<16xf32>
      %add3A_548 = arith.addf %add3A_540, %mul3A_547 : vector<16xf32>
      %get3A_549 = arith.index_cast %add3A_509 : i32 to index
      %get3A_550 = arith.constant 80 : index
      %get3A_551 = tpu.vector_load %arg12[%get3A_549, %get3A_550] {strides = array<i32>} : memref<128x128xf32, #tpu.memory_space<vmem>>, vector<16xf32>,
      %get3A_552 = arith.index_cast %add3A_509 : i32 to index
      %get3A_553 = arith.constant 80 : index
      %get3A_554 = tpu.vector_load %arg13[%get3A_552, %get3A_553] {strides = array<i32>} : memref<128x128xf32, #tpu.memory_space<vmem>>, vector<16xf32>,
      %mul3A_555 = arith.mulf %get3A_551, %get3A_554 : vector<16xf32>
      %add3A_556 = arith.addf %add3A_548, %mul3A_555 : vector<16xf32>
      %get3A_557 = arith.index_cast %add3A_509 : i32 to index
      %get3A_558 = arith.constant 96 : index
      %get3A_559 = tpu.vector_load %arg12[%get3A_557, %get3A_558] {strides = array<i32>} : memref<128x128xf32, #tpu.memory_space<vmem>>, vector<16xf32>,
      %get3A_560 = arith.index_cast %add3A_509 : i32 to index
      %get3A_561 = arith.constant 96 : index
      %get3A_562 = tpu.vector_load %arg13[%get3A_560, %get3A_561] {strides = array<i32>} : memref<128x128xf32, #tpu.memory_space<vmem>>, vector<16xf32>,
      %mul3A_563 = arith.mulf %get3A_559, %get3A_562 : vector<16xf32>
      %add3A_564 = arith.addf %add3A_556, %mul3A_563 : vector<16xf32>
      %get3A_565 = arith.index_cast %add3A_509 : i32 to index
      %get3A_566 = arith.constant 112 : index
      %get3A_567 = tpu.vector_load %arg12[%get3A_565, %get3A_566] {strides = array<i32>} : memref<128x128xf32, #tpu.memory_space<vmem>>, vector<16xf32>,
      %get3A_568 = arith.index_cast %add3A_509 : i32 to index
      %get3A_569 = arith.constant 112 : index
      %get3A_570 = tpu.vector_load %arg13[%get3A_568, %get3A_569] {strides = array<i32>} : memref<128x128xf32, #tpu.memory_space<vmem>>, vector<16xf32>,
      %mul3A_571 = arith.mulf %get3A_567, %get3A_570 : vector<16xf32>
      %add3A_572 = arith.addf %add3A_564, %mul3A_571 : vector<16xf32>
      %swap3A_573 = arith.constant 7 : i32
      %swap3A_574 = arith.index_cast %swap3A_573 : i32 to index
      %swap3A_575 = arith.constant 0 : index
      %swap3A_576 = tpu.vector_load %arg16[%swap3A_574, %swap3A_575] {strides = array<i32>} : memref<16x16xf32, #tpu.memory_space<vmem>>, vector<16xf32>,
      tpu.vector_store %arg16[%swap3A_574, %swap3A_575], %add3A_572 {strides = array<i32>} : memref<16x16xf32, #tpu.memory_space<vmem>>, vector<16xf32>,
      %add3A_577 = arith.constant 8 : i32
      %add3A_578 = arith.addi %mul3A_26, %add3A_577 : i32
      %get3A_579 = arith.index_cast %add3A_578 : i32 to index
      %get3A_580 = arith.constant 0 : index
      %get3A_581 = tpu.vector_load %arg12[%get3A_579, %get3A_580] {strides = array<i32>} : memref<128x128xf32, #tpu.memory_space<vmem>>, vector<16xf32>,
      %get3A_582 = arith.index_cast %add3A_578 : i32 to index
      %get3A_583 = arith.constant 0 : index
      %get3A_584 = tpu.vector_load %arg13[%get3A_582, %get3A_583] {strides = array<i32>} : memref<128x128xf32, #tpu.memory_space<vmem>>, vector<16xf32>,
      %mul3A_585 = arith.mulf %get3A_581, %get3A_584 : vector<16xf32>
      %get3A_586 = arith.index_cast %add3A_578 : i32 to index
      %get3A_587 = arith.constant 16 : index
      %get3A_588 = tpu.vector_load %arg12[%get3A_586, %get3A_587] {strides = array<i32>} : memref<128x128xf32, #tpu.memory_space<vmem>>, vector<16xf32>,
      %get3A_589 = arith.index_cast %add3A_578 : i32 to index
      %get3A_590 = arith.constant 16 : index
      %get3A_591 = tpu.vector_load %arg13[%get3A_589, %get3A_590] {strides = array<i32>} : memref<128x128xf32, #tpu.memory_space<vmem>>, vector<16xf32>,
      %mul3A_592 = arith.mulf %get3A_588, %get3A_591 : vector<16xf32>
      %add3A_593 = arith.addf %mul3A_585, %mul3A_592 : vector<16xf32>
      %get3A_594 = arith.index_cast %add3A_578 : i32 to index
      %get3A_595 = arith.constant 32 : index
      %get3A_596 = tpu.vector_load %arg12[%get3A_594, %get3A_595] {strides = array<i32>} : memref<128x128xf32, #tpu.memory_space<vmem>>, vector<16xf32>,
      %get3A_597 = arith.index_cast %add3A_578 : i32 to index
      %get3A_598 = arith.constant 32 : index
      %get3A_599 = tpu.vector_load %arg13[%get3A_597, %get3A_598] {strides = array<i32>} : memref<128x128xf32, #tpu.memory_space<vmem>>, vector<16xf32>,
      %mul3A_600 = arith.mulf %get3A_596, %get3A_599 : vector<16xf32>
      %add3A_601 = arith.addf %add3A_593, %mul3A_600 : vector<16xf32>
      %get3A_602 = arith.index_cast %add3A_578 : i32 to index
      %get3A_603 = arith.constant 48 : index
      %get3A_604 = tpu.vector_load %arg12[%get3A_602, %get3A_603] {strides = array<i32>} : memref<128x128xf32, #tpu.memory_space<vmem>>, vector<16xf32>,
      %get3A_605 = arith.index_cast %add3A_578 : i32 to index
      %get3A_606 = arith.constant 48 : index
      %get3A_607 = tpu.vector_load %arg13[%get3A_605, %get3A_606] {strides = array<i32>} : memref<128x128xf32, #tpu.memory_space<vmem>>, vector<16xf32>,
      %mul3A_608 = arith.mulf %get3A_604, %get3A_607 : vector<16xf32>
      %add3A_609 = arith.addf %add3A_601, %mul3A_608 : vector<16xf32>
      %get3A_610 = arith.index_cast %add3A_578 : i32 to index
      %get3A_611 = arith.constant 64 : index
      %get3A_612 = tpu.vector_load %arg12[%get3A_610, %get3A_611] {strides = array<i32>} : memref<128x128xf32, #tpu.memory_space<vmem>>, vector<16xf32>,
      %get3A_613 = arith.index_cast %add3A_578 : i32 to index
      %get3A_614 = arith.constant 64 : index
      %get3A_615 = tpu.vector_load %arg13[%get3A_613, %get3A_614] {strides = array<i32>} : memref<128x128xf32, #tpu.memory_space<vmem>>, vector<16xf32>,
      %mul3A_616 = arith.mulf %get3A_612, %get3A_615 : vector<16xf32>
      %add3A_617 = arith.addf %add3A_609, %mul3A_616 : vector<16xf32>
      %get3A_618 = arith.index_cast %add3A_578 : i32 to index
      %get3A_619 = arith.constant 80 : index
      %get3A_620 = tpu.vector_load %arg12[%get3A_618, %get3A_619] {strides = array<i32>} : memref<128x128xf32, #tpu.memory_space<vmem>>, vector<16xf32>,
      %get3A_621 = arith.index_cast %add3A_578 : i32 to index
      %get3A_622 = arith.constant 80 : index
      %get3A_623 = tpu.vector_load %arg13[%get3A_621, %get3A_622] {strides = array<i32>} : memref<128x128xf32, #tpu.memory_space<vmem>>, vector<16xf32>,
      %mul3A_624 = arith.mulf %get3A_620, %get3A_623 : vector<16xf32>
      %add3A_625 = arith.addf %add3A_617, %mul3A_624 : vector<16xf32>
      %get3A_626 = arith.index_cast %add3A_578 : i32 to index
      %get3A_627 = arith.constant 96 : index
      %get3A_628 = tpu.vector_load %arg12[%get3A_626, %get3A_627] {strides = array<i32>} : memref<128x128xf32, #tpu.memory_space<vmem>>, vector<16xf32>,
      %get3A_629 = arith.index_cast %add3A_578 : i32 to index
      %get3A_630 = arith.constant 96 : index
      %get3A_631 = tpu.vector_load %arg13[%get3A_629, %get3A_630] {strides = array<i32>} : memref<128x128xf32, #tpu.memory_space<vmem>>, vector<16xf32>,
      %mul3A_632 = arith.mulf %get3A_628, %get3A_631 : vector<16xf32>
      %add3A_633 = arith.addf %add3A_625, %mul3A_632 : vector<16xf32>
      %get3A_634 = arith.index_cast %add3A_578 : i32 to index
      %get3A_635 = arith.constant 112 : index
      %get3A_636 = tpu.vector_load %arg12[%get3A_634, %get3A_635] {strides = array<i32>} : memref<128x128xf32, #tpu.memory_space<vmem>>, vector<16xf32>,
      %get3A_637 = arith.index_cast %add3A_578 : i32 to index
      %get3A_638 = arith.constant 112 : index
      %get3A_639 = tpu.vector_load %arg13[%get3A_637, %get3A_638] {strides = array<i32>} : memref<128x128xf32, #tpu.memory_space<vmem>>, vector<16xf32>,
      %mul3A_640 = arith.mulf %get3A_636, %get3A_639 : vector<16xf32>
      %add3A_641 = arith.addf %add3A_633, %mul3A_640 : vector<16xf32>
      %swap3A_642 = arith.constant 8 : i32
      %swap3A_643 = arith.index_cast %swap3A_642 : i32 to index
      %swap3A_644 = arith.constant 0 : index
      %swap3A_645 = tpu.vector_load %arg16[%swap3A_643, %swap3A_644] {strides = array<i32>} : memref<16x16xf32, #tpu.memory_space<vmem>>, vector<16xf32>,
      tpu.vector_store %arg16[%swap3A_643, %swap3A_644], %add3A_641 {strides = array<i32>} : memref<16x16xf32, #tpu.memory_space<vmem>>, vector<16xf32>,
      %add3A_646 = arith.constant 9 : i32
      %add3A_647 = arith.addi %mul3A_26, %add3A_646 : i32
      %get3A_648 = arith.index_cast %add3A_647 : i32 to index
      %get3A_649 = arith.constant 0 : index
      %get3A_650 = tpu.vector_load %arg12[%get3A_648, %get3A_649] {strides = array<i32>} : memref<128x128xf32, #tpu.memory_space<vmem>>, vector<16xf32>,
      %get3A_651 = arith.index_cast %add3A_647 : i32 to index
      %get3A_652 = arith.constant 0 : index
      %get3A_653 = tpu.vector_load %arg13[%get3A_651, %get3A_652] {strides = array<i32>} : memref<128x128xf32, #tpu.memory_space<vmem>>, vector<16xf32>,
      %mul3A_654 = arith.mulf %get3A_650, %get3A_653 : vector<16xf32>
      %get3A_655 = arith.index_cast %add3A_647 : i32 to index
      %get3A_656 = arith.constant 16 : index
      %get3A_657 = tpu.vector_load %arg12[%get3A_655, %get3A_656] {strides = array<i32>} : memref<128x128xf32, #tpu.memory_space<vmem>>, vector<16xf32>,
      %get3A_658 = arith.index_cast %add3A_647 : i32 to index
      %get3A_659 = arith.constant 16 : index
      %get3A_660 = tpu.vector_load %arg13[%get3A_658, %get3A_659] {strides = array<i32>} : memref<128x128xf32, #tpu.memory_space<vmem>>, vector<16xf32>,
      %mul3A_661 = arith.mulf %get3A_657, %get3A_660 : vector<16xf32>
      %add3A_662 = arith.addf %mul3A_654, %mul3A_661 : vector<16xf32>
      %get3A_663 = arith.index_cast %add3A_647 : i32 to index
      %get3A_664 = arith.constant 32 : index
      %get3A_665 = tpu.vector_load %arg12[%get3A_663, %get3A_664] {strides = array<i32>} : memref<128x128xf32, #tpu.memory_space<vmem>>, vector<16xf32>,
      %get3A_666 = arith.index_cast %add3A_647 : i32 to index
      %get3A_667 = arith.constant 32 : index
      %get3A_668 = tpu.vector_load %arg13[%get3A_666, %get3A_667] {strides = array<i32>} : memref<128x128xf32, #tpu.memory_space<vmem>>, vector<16xf32>,
      %mul3A_669 = arith.mulf %get3A_665, %get3A_668 : vector<16xf32>
      %add3A_670 = arith.addf %add3A_662, %mul3A_669 : vector<16xf32>
      %get3A_671 = arith.index_cast %add3A_647 : i32 to index
      %get3A_672 = arith.constant 48 : index
      %get3A_673 = tpu.vector_load %arg12[%get3A_671, %get3A_672] {strides = array<i32>} : memref<128x128xf32, #tpu.memory_space<vmem>>, vector<16xf32>,
      %get3A_674 = arith.index_cast %add3A_647 : i32 to index
      %get3A_675 = arith.constant 48 : index
      %get3A_676 = tpu.vector_load %arg13[%get3A_674, %get3A_675] {strides = array<i32>} : memref<128x128xf32, #tpu.memory_space<vmem>>, vector<16xf32>,
      %mul3A_677 = arith.mulf %get3A_673, %get3A_676 : vector<16xf32>
      %add3A_678 = arith.addf %add3A_670, %mul3A_677 : vector<16xf32>
      %get3A_679 = arith.index_cast %add3A_647 : i32 to index
      %get3A_680 = arith.constant 64 : index
      %get3A_681 = tpu.vector_load %arg12[%get3A_679, %get3A_680] {strides = array<i32>} : memref<128x128xf32, #tpu.memory_space<vmem>>, vector<16xf32>,
      %get3A_682 = arith.index_cast %add3A_647 : i32 to index
      %get3A_683 = arith.constant 64 : index
      %get3A_684 = tpu.vector_load %arg13[%get3A_682, %get3A_683] {strides = array<i32>} : memref<128x128xf32, #tpu.memory_space<vmem>>, vector<16xf32>,
      %mul3A_685 = arith.mulf %get3A_681, %get3A_684 : vector<16xf32>
      %add3A_686 = arith.addf %add3A_678, %mul3A_685 : vector<16xf32>
      %get3A_687 = arith.index_cast %add3A_647 : i32 to index
      %get3A_688 = arith.constant 80 : index
      %get3A_689 = tpu.vector_load %arg12[%get3A_687, %get3A_688] {strides = array<i32>} : memref<128x128xf32, #tpu.memory_space<vmem>>, vector<16xf32>,
      %get3A_690 = arith.index_cast %add3A_647 : i32 to index
      %get3A_691 = arith.constant 80 : index
      %get3A_692 = tpu.vector_load %arg13[%get3A_690, %get3A_691] {strides = array<i32>} : memref<128x128xf32, #tpu.memory_space<vmem>>, vector<16xf32>,
      %mul3A_693 = arith.mulf %get3A_689, %get3A_692 : vector<16xf32>
      %add3A_694 = arith.addf %add3A_686, %mul3A_693 : vector<16xf32>
      %get3A_695 = arith.index_cast %add3A_647 : i32 to index
      %get3A_696 = arith.constant 96 : index
      %get3A_697 = tpu.vector_load %arg12[%get3A_695, %get3A_696] {strides = array<i32>} : memref<128x128xf32, #tpu.memory_space<vmem>>, vector<16xf32>,
      %get3A_698 = arith.index_cast %add3A_647 : i32 to index
      %get3A_699 = arith.constant 96 : index
      %get3A_700 = tpu.vector_load %arg13[%get3A_698, %get3A_699] {strides = array<i32>} : memref<128x128xf32, #tpu.memory_space<vmem>>, vector<16xf32>,
      %mul3A_701 = arith.mulf %get3A_697, %get3A_700 : vector<16xf32>
      %add3A_702 = arith.addf %add3A_694, %mul3A_701 : vector<16xf32>
      %get3A_703 = arith.index_cast %add3A_647 : i32 to index
      %get3A_704 = arith.constant 112 : index
      %get3A_705 = tpu.vector_load %arg12[%get3A_703, %get3A_704] {strides = array<i32>} : memref<128x128xf32, #tpu.memory_space<vmem>>, vector<16xf32>,
      %get3A_706 = arith.index_cast %add3A_647 : i32 to index
      %get3A_707 = arith.constant 112 : index
      %get3A_708 = tpu.vector_load %arg13[%get3A_706, %get3A_707] {strides = array<i32>} : memref<128x128xf32, #tpu.memory_space<vmem>>, vector<16xf32>,
      %mul3A_709 = arith.mulf %get3A_705, %get3A_708 : vector<16xf32>
      %add3A_710 = arith.addf %add3A_702, %mul3A_709 : vector<16xf32>
      %swap3A_711 = arith.constant 9 : i32
      %swap3A_712 = arith.index_cast %swap3A_711 : i32 to index
      %swap3A_713 = arith.constant 0 : index
      %swap3A_714 = tpu.vector_load %arg16[%swap3A_712, %swap3A_713] {strides = array<i32>} : memref<16x16xf32, #tpu.memory_space<vmem>>, vector<16xf32>,
      tpu.vector_store %arg16[%swap3A_712, %swap3A_713], %add3A_710 {strides = array<i32>} : memref<16x16xf32, #tpu.memory_space<vmem>>, vector<16xf32>,
      %add3A_715 = arith.constant 10 : i32
      %add3A_716 = arith.addi %mul3A_26, %add3A_715 : i32
      %get3A_717 = arith.index_cast %add3A_716 : i32 to index
      %get3A_718 = arith.constant 0 : index
      %get3A_719 = tpu.vector_load %arg12[%get3A_717, %get3A_718] {strides = array<i32>} : memref<128x128xf32, #tpu.memory_space<vmem>>, vector<16xf32>,
      %get3A_720 = arith.index_cast %add3A_716 : i32 to index
      %get3A_721 = arith.constant 0 : index
      %get3A_722 = tpu.vector_load %arg13[%get3A_720, %get3A_721] {strides = array<i32>} : memref<128x128xf32, #tpu.memory_space<vmem>>, vector<16xf32>,
      %mul3A_723 = arith.mulf %get3A_719, %get3A_722 : vector<16xf32>
      %get3A_724 = arith.index_cast %add3A_716 : i32 to index
      %get3A_725 = arith.constant 16 : index
      %get3A_726 = tpu.vector_load %arg12[%get3A_724, %get3A_725] {strides = array<i32>} : memref<128x128xf32, #tpu.memory_space<vmem>>, vector<16xf32>,
      %get3A_727 = arith.index_cast %add3A_716 : i32 to index
      %get3A_728 = arith.constant 16 : index
      %get3A_729 = tpu.vector_load %arg13[%get3A_727, %get3A_728] {strides = array<i32>} : memref<128x128xf32, #tpu.memory_space<vmem>>, vector<16xf32>,
      %mul3A_730 = arith.mulf %get3A_726, %get3A_729 : vector<16xf32>
      %add3A_731 = arith.addf %mul3A_723, %mul3A_730 : vector<16xf32>
      %get3A_732 = arith.index_cast %add3A_716 : i32 to index
      %get3A_733 = arith.constant 32 : index
      %get3A_734 = tpu.vector_load %arg12[%get3A_732, %get3A_733] {strides = array<i32>} : memref<128x128xf32, #tpu.memory_space<vmem>>, vector<16xf32>,
      %get3A_735 = arith.index_cast %add3A_716 : i32 to index
      %get3A_736 = arith.constant 32 : index
      %get3A_737 = tpu.vector_load %arg13[%get3A_735, %get3A_736] {strides = array<i32>} : memref<128x128xf32, #tpu.memory_space<vmem>>, vector<16xf32>,
      %mul3A_738 = arith.mulf %get3A_734, %get3A_737 : vector<16xf32>
      %add3A_739 = arith.addf %add3A_731, %mul3A_738 : vector<16xf32>
      %get3A_740 = arith.index_cast %add3A_716 : i32 to index
      %get3A_741 = arith.constant 48 : index
      %get3A_742 = tpu.vector_load %arg12[%get3A_740, %get3A_741] {strides = array<i32>} : memref<128x128xf32, #tpu.memory_space<vmem>>, vector<16xf32>,
      %get3A_743 = arith.index_cast %add3A_716 : i32 to index
      %get3A_744 = arith.constant 48 : index
      %get3A_745 = tpu.vector_load %arg13[%get3A_743, %get3A_744] {strides = array<i32>} : memref<128x128xf32, #tpu.memory_space<vmem>>, vector<16xf32>,
      %mul3A_746 = arith.mulf %get3A_742, %get3A_745 : vector<16xf32>
      %add3A_747 = arith.addf %add3A_739, %mul3A_746 : vector<16xf32>
      %get3A_748 = arith.index_cast %add3A_716 : i32 to index
      %get3A_749 = arith.constant 64 : index
      %get3A_750 = tpu.vector_load %arg12[%get3A_748, %get3A_749] {strides = array<i32>} : memref<128x128xf32, #tpu.memory_space<vmem>>, vector<16xf32>,
      %get3A_751 = arith.index_cast %add3A_716 : i32 to index
      %get3A_752 = arith.constant 64 : index
      %get3A_753 = tpu.vector_load %arg13[%get3A_751, %get3A_752] {strides = array<i32>} : memref<128x128xf32, #tpu.memory_space<vmem>>, vector<16xf32>,
      %mul3A_754 = arith.mulf %get3A_750, %get3A_753 : vector<16xf32>
      %add3A_755 = arith.addf %add3A_747, %mul3A_754 : vector<16xf32>
      %get3A_756 = arith.index_cast %add3A_716 : i32 to index
      %get3A_757 = arith.constant 80 : index
      %get3A_758 = tpu.vector_load %arg12[%get3A_756, %get3A_757] {strides = array<i32>} : memref<128x128xf32, #tpu.memory_space<vmem>>, vector<16xf32>,
      %get3A_759 = arith.index_cast %add3A_716 : i32 to index
      %get3A_760 = arith.constant 80 : index
      %get3A_761 = tpu.vector_load %arg13[%get3A_759, %get3A_760] {strides = array<i32>} : memref<128x128xf32, #tpu.memory_space<vmem>>, vector<16xf32>,
      %mul3A_762 = arith.mulf %get3A_758, %get3A_761 : vector<16xf32>
      %add3A_763 = arith.addf %add3A_755, %mul3A_762 : vector<16xf32>
      %get3A_764 = arith.index_cast %add3A_716 : i32 to index
      %get3A_765 = arith.constant 96 : index
      %get3A_766 = tpu.vector_load %arg12[%get3A_764, %get3A_765] {strides = array<i32>} : memref<128x128xf32, #tpu.memory_space<vmem>>, vector<16xf32>,
      %get3A_767 = arith.index_cast %add3A_716 : i32 to index
      %get3A_768 = arith.constant 96 : index
      %get3A_769 = tpu.vector_load %arg13[%get3A_767, %get3A_768] {strides = array<i32>} : memref<128x128xf32, #tpu.memory_space<vmem>>, vector<16xf32>,
      %mul3A_770 = arith.mulf %get3A_766, %get3A_769 : vector<16xf32>
      %add3A_771 = arith.addf %add3A_763, %mul3A_770 : vector<16xf32>
      %get3A_772 = arith.index_cast %add3A_716 : i32 to index
      %get3A_773 = arith.constant 112 : index
      %get3A_774 = tpu.vector_load %arg12[%get3A_772, %get3A_773] {strides = array<i32>} : memref<128x128xf32, #tpu.memory_space<vmem>>, vector<16xf32>,
      %get3A_775 = arith.index_cast %add3A_716 : i32 to index
      %get3A_776 = arith.constant 112 : index
      %get3A_777 = tpu.vector_load %arg13[%get3A_775, %get3A_776] {strides = array<i32>} : memref<128x128xf32, #tpu.memory_space<vmem>>, vector<16xf32>,
      %mul3A_778 = arith.mulf %get3A_774, %get3A_777 : vector<16xf32>
      %add3A_779 = arith.addf %add3A_771, %mul3A_778 : vector<16xf32>
      %swap3A_780 = arith.constant 10 : i32
      %swap3A_781 = arith.index_cast %swap3A_780 : i32 to index
      %swap3A_782 = arith.constant 0 : index
      %swap3A_783 = tpu.vector_load %arg16[%swap3A_781, %swap3A_782] {strides = array<i32>} : memref<16x16xf32, #tpu.memory_space<vmem>>, vector<16xf32>,
      tpu.vector_store %arg16[%swap3A_781, %swap3A_782], %add3A_779 {strides = array<i32>} : memref<16x16xf32, #tpu.memory_space<vmem>>, vector<16xf32>,
      %add3A_784 = arith.constant 11 : i32
      %add3A_785 = arith.addi %mul3A_26, %add3A_784 : i32
      %get3A_786 = arith.index_cast %add3A_785 : i32 to index
      %get3A_787 = arith.constant 0 : index
      %get3A_788 = tpu.vector_load %arg12[%get3A_786, %get3A_787] {strides = array<i32>} : memref<128x128xf32, #tpu.memory_space<vmem>>, vector<16xf32>,
      %get3A_789 = arith.index_cast %add3A_785 : i32 to index
      %get3A_790 = arith.constant 0 : index
      %get3A_791 = tpu.vector_load %arg13[%get3A_789, %get3A_790] {strides = array<i32>} : memref<128x128xf32, #tpu.memory_space<vmem>>, vector<16xf32>,
      %mul3A_792 = arith.mulf %get3A_788, %get3A_791 : vector<16xf32>
      %get3A_793 = arith.index_cast %add3A_785 : i32 to index
      %get3A_794 = arith.constant 16 : index
      %get3A_795 = tpu.vector_load %arg12[%get3A_793, %get3A_794] {strides = array<i32>} : memref<128x128xf32, #tpu.memory_space<vmem>>, vector<16xf32>,
      %get3A_796 = arith.index_cast %add3A_785 : i32 to index
      %get3A_797 = arith.constant 16 : index
      %get3A_798 = tpu.vector_load %arg13[%get3A_796, %get3A_797] {strides = array<i32>} : memref<128x128xf32, #tpu.memory_space<vmem>>, vector<16xf32>,
      %mul3A_799 = arith.mulf %get3A_795, %get3A_798 : vector<16xf32>
      %add3A_800 = arith.addf %mul3A_792, %mul3A_799 : vector<16xf32>
      %get3A_801 = arith.index_cast %add3A_785 : i32 to index
      %get3A_802 = arith.constant 32 : index
      %get3A_803 = tpu.vector_load %arg12[%get3A_801, %get3A_802] {strides = array<i32>} : memref<128x128xf32, #tpu.memory_space<vmem>>, vector<16xf32>,
      %get3A_804 = arith.index_cast %add3A_785 : i32 to index
      %get3A_805 = arith.constant 32 : index
      %get3A_806 = tpu.vector_load %arg13[%get3A_804, %get3A_805] {strides = array<i32>} : memref<128x128xf32, #tpu.memory_space<vmem>>, vector<16xf32>,
      %mul3A_807 = arith.mulf %get3A_803, %get3A_806 : vector<16xf32>
      %add3A_808 = arith.addf %add3A_800, %mul3A_807 : vector<16xf32>
      %get3A_809 = arith.index_cast %add3A_785 : i32 to index
      %get3A_810 = arith.constant 48 : index
      %get3A_811 = tpu.vector_load %arg12[%get3A_809, %get3A_810] {strides = array<i32>} : memref<128x128xf32, #tpu.memory_space<vmem>>, vector<16xf32>,
      %get3A_812 = arith.index_cast %add3A_785 : i32 to index
      %get3A_813 = arith.constant 48 : index
      %get3A_814 = tpu.vector_load %arg13[%get3A_812, %get3A_813] {strides = array<i32>} : memref<128x128xf32, #tpu.memory_space<vmem>>, vector<16xf32>,
      %mul3A_815 = arith.mulf %get3A_811, %get3A_814 : vector<16xf32>
      %add3A_816 = arith.addf %add3A_808, %mul3A_815 : vector<16xf32>
      %get3A_817 = arith.index_cast %add3A_785 : i32 to index
      %get3A_818 = arith.constant 64 : index
      %get3A_819 = tpu.vector_load %arg12[%get3A_817, %get3A_818] {strides = array<i32>} : memref<128x128xf32, #tpu.memory_space<vmem>>, vector<16xf32>,
      %get3A_820 = arith.index_cast %add3A_785 : i32 to index
      %get3A_821 = arith.constant 64 : index
      %get3A_822 = tpu.vector_load %arg13[%get3A_820, %get3A_821] {strides = array<i32>} : memref<128x128xf32, #tpu.memory_space<vmem>>, vector<16xf32>,
      %mul3A_823 = arith.mulf %get3A_819, %get3A_822 : vector<16xf32>
      %add3A_824 = arith.addf %add3A_816, %mul3A_823 : vector<16xf32>
      %get3A_825 = arith.index_cast %add3A_785 : i32 to index
      %get3A_826 = arith.constant 80 : index
      %get3A_827 = tpu.vector_load %arg12[%get3A_825, %get3A_826] {strides = array<i32>} : memref<128x128xf32, #tpu.memory_space<vmem>>, vector<16xf32>,
      %get3A_828 = arith.index_cast %add3A_785 : i32 to index
      %get3A_829 = arith.constant 80 : index
      %get3A_830 = tpu.vector_load %arg13[%get3A_828, %get3A_829] {strides = array<i32>} : memref<128x128xf32, #tpu.memory_space<vmem>>, vector<16xf32>,
      %mul3A_831 = arith.mulf %get3A_827, %get3A_830 : vector<16xf32>
      %add3A_832 = arith.addf %add3A_824, %mul3A_831 : vector<16xf32>
      %get3A_833 = arith.index_cast %add3A_785 : i32 to index
      %get3A_834 = arith.constant 96 : index
      %get3A_835 = tpu.vector_load %arg12[%get3A_833, %get3A_834] {strides = array<i32>} : memref<128x128xf32, #tpu.memory_space<vmem>>, vector<16xf32>,
      %get3A_836 = arith.index_cast %add3A_785 : i32 to index
      %get3A_837 = arith.constant 96 : index
      %get3A_838 = tpu.vector_load %arg13[%get3A_836, %get3A_837] {strides = array<i32>} : memref<128x128xf32, #tpu.memory_space<vmem>>, vector<16xf32>,
      %mul3A_839 = arith.mulf %get3A_835, %get3A_838 : vector<16xf32>
      %add3A_840 = arith.addf %add3A_832, %mul3A_839 : vector<16xf32>
      %get3A_841 = arith.index_cast %add3A_785 : i32 to index
      %get3A_842 = arith.constant 112 : index
      %get3A_843 = tpu.vector_load %arg12[%get3A_841, %get3A_842] {strides = array<i32>} : memref<128x128xf32, #tpu.memory_space<vmem>>, vector<16xf32>,
      %get3A_844 = arith.index_cast %add3A_785 : i32 to index
      %get3A_845 = arith.constant 112 : index
      %get3A_846 = tpu.vector_load %arg13[%get3A_844, %get3A_845] {strides = array<i32>} : memref<128x128xf32, #tpu.memory_space<vmem>>, vector<16xf32>,
      %mul3A_847 = arith.mulf %get3A_843, %get3A_846 : vector<16xf32>
      %add3A_848 = arith.addf %add3A_840, %mul3A_847 : vector<16xf32>
      %swap3A_849 = arith.constant 11 : i32
      %swap3A_850 = arith.index_cast %swap3A_849 : i32 to index
      %swap3A_851 = arith.constant 0 : index
      %swap3A_852 = tpu.vector_load %arg16[%swap3A_850, %swap3A_851] {strides = array<i32>} : memref<16x16xf32, #tpu.memory_space<vmem>>, vector<16xf32>,
      tpu.vector_store %arg16[%swap3A_850, %swap3A_851], %add3A_848 {strides = array<i32>} : memref<16x16xf32, #tpu.memory_space<vmem>>, vector<16xf32>,
      %add3A_853 = arith.constant 12 : i32
      %add3A_854 = arith.addi %mul3A_26, %add3A_853 : i32
      %get3A_855 = arith.index_cast %add3A_854 : i32 to index
      %get3A_856 = arith.constant 0 : index
      %get3A_857 = tpu.vector_load %arg12[%get3A_855, %get3A_856] {strides = array<i32>} : memref<128x128xf32, #tpu.memory_space<vmem>>, vector<16xf32>,
      %get3A_858 = arith.index_cast %add3A_854 : i32 to index
      %get3A_859 = arith.constant 0 : index
      %get3A_860 = tpu.vector_load %arg13[%get3A_858, %get3A_859] {strides = array<i32>} : memref<128x128xf32, #tpu.memory_space<vmem>>, vector<16xf32>,
      %mul3A_861 = arith.mulf %get3A_857, %get3A_860 : vector<16xf32>
      %get3A_862 = arith.index_cast %add3A_854 : i32 to index
      %get3A_863 = arith.constant 16 : index
      %get3A_864 = tpu.vector_load %arg12[%get3A_862, %get3A_863] {strides = array<i32>} : memref<128x128xf32, #tpu.memory_space<vmem>>, vector<16xf32>,
      %get3A_865 = arith.index_cast %add3A_854 : i32 to index
      %get3A_866 = arith.constant 16 : index
      %get3A_867 = tpu.vector_load %arg13[%get3A_865, %get3A_866] {strides = array<i32>} : memref<128x128xf32, #tpu.memory_space<vmem>>, vector<16xf32>,
      %mul3A_868 = arith.mulf %get3A_864, %get3A_867 : vector<16xf32>
      %add3A_869 = arith.addf %mul3A_861, %mul3A_868 : vector<16xf32>
      %get3A_870 = arith.index_cast %add3A_854 : i32 to index
      %get3A_871 = arith.constant 32 : index
      %get3A_872 = tpu.vector_load %arg12[%get3A_870, %get3A_871] {strides = array<i32>} : memref<128x128xf32, #tpu.memory_space<vmem>>, vector<16xf32>,
      %get3A_873 = arith.index_cast %add3A_854 : i32 to index
      %get3A_874 = arith.constant 32 : index
      %get3A_875 = tpu.vector_load %arg13[%get3A_873, %get3A_874] {strides = array<i32>} : memref<128x128xf32, #tpu.memory_space<vmem>>, vector<16xf32>,
      %mul3A_876 = arith.mulf %get3A_872, %get3A_875 : vector<16xf32>
      %add3A_877 = arith.addf %add3A_869, %mul3A_876 : vector<16xf32>
      %get3A_878 = arith.index_cast %add3A_854 : i32 to index
      %get3A_879 = arith.constant 48 : index
      %get3A_880 = tpu.vector_load %arg12[%get3A_878, %get3A_879] {strides = array<i32>} : memref<128x128xf32, #tpu.memory_space<vmem>>, vector<16xf32>,
      %get3A_881 = arith.index_cast %add3A_854 : i32 to index
      %get3A_882 = arith.constant 48 : index
      %get3A_883 = tpu.vector_load %arg13[%get3A_881, %get3A_882] {strides = array<i32>} : memref<128x128xf32, #tpu.memory_space<vmem>>, vector<16xf32>,
      %mul3A_884 = arith.mulf %get3A_880, %get3A_883 : vector<16xf32>
      %add3A_885 = arith.addf %add3A_877, %mul3A_884 : vector<16xf32>
      %get3A_886 = arith.index_cast %add3A_854 : i32 to index
      %get3A_887 = arith.constant 64 : index
      %get3A_888 = tpu.vector_load %arg12[%get3A_886, %get3A_887] {strides = array<i32>} : memref<128x128xf32, #tpu.memory_space<vmem>>, vector<16xf32>,
      %get3A_889 = arith.index_cast %add3A_854 : i32 to index
      %get3A_890 = arith.constant 64 : index
      %get3A_891 = tpu.vector_load %arg13[%get3A_889, %get3A_890] {strides = array<i32>} : memref<128x128xf32, #tpu.memory_space<vmem>>, vector<16xf32>,
      %mul3A_892 = arith.mulf %get3A_888, %get3A_891 : vector<16xf32>
      %add3A_893 = arith.addf %add3A_885, %mul3A_892 : vector<16xf32>
      %get3A_894 = arith.index_cast %add3A_854 : i32 to index
      %get3A_895 = arith.constant 80 : index
      %get3A_896 = tpu.vector_load %arg12[%get3A_894, %get3A_895] {strides = array<i32>} : memref<128x128xf32, #tpu.memory_space<vmem>>, vector<16xf32>,
      %get3A_897 = arith.index_cast %add3A_854 : i32 to index
      %get3A_898 = arith.constant 80 : index
      %get3A_899 = tpu.vector_load %arg13[%get3A_897, %get3A_898] {strides = array<i32>} : memref<128x128xf32, #tpu.memory_space<vmem>>, vector<16xf32>,
      %mul3A_900 = arith.mulf %get3A_896, %get3A_899 : vector<16xf32>
      %add3A_901 = arith.addf %add3A_893, %mul3A_900 : vector<16xf32>
      %get3A_902 = arith.index_cast %add3A_854 : i32 to index
      %get3A_903 = arith.constant 96 : index
      %get3A_904 = tpu.vector_load %arg12[%get3A_902, %get3A_903] {strides = array<i32>} : memref<128x128xf32, #tpu.memory_space<vmem>>, vector<16xf32>,
      %get3A_905 = arith.index_cast %add3A_854 : i32 to index
      %get3A_906 = arith.constant 96 : index
      %get3A_907 = tpu.vector_load %arg13[%get3A_905, %get3A_906] {strides = array<i32>} : memref<128x128xf32, #tpu.memory_space<vmem>>, vector<16xf32>,
      %mul3A_908 = arith.mulf %get3A_904, %get3A_907 : vector<16xf32>
      %add3A_909 = arith.addf %add3A_901, %mul3A_908 : vector<16xf32>
      %get3A_910 = arith.index_cast %add3A_854 : i32 to index
      %get3A_911 = arith.constant 112 : index
      %get3A_912 = tpu.vector_load %arg12[%get3A_910, %get3A_911] {strides = array<i32>} : memref<128x128xf32, #tpu.memory_space<vmem>>, vector<16xf32>,
      %get3A_913 = arith.index_cast %add3A_854 : i32 to index
      %get3A_914 = arith.constant 112 : index
      %get3A_915 = tpu.vector_load %arg13[%get3A_913, %get3A_914] {strides = array<i32>} : memref<128x128xf32, #tpu.memory_space<vmem>>, vector<16xf32>,
      %mul3A_916 = arith.mulf %get3A_912, %get3A_915 : vector<16xf32>
      %add3A_917 = arith.addf %add3A_909, %mul3A_916 : vector<16xf32>
      %swap3A_918 = arith.constant 12 : i32
      %swap3A_919 = arith.index_cast %swap3A_918 : i32 to index
      %swap3A_920 = arith.constant 0 : index
      %swap3A_921 = tpu.vector_load %arg16[%swap3A_919, %swap3A_920] {strides = array<i32>} : memref<16x16xf32, #tpu.memory_space<vmem>>, vector<16xf32>,
      tpu.vector_store %arg16[%swap3A_919, %swap3A_920], %add3A_917 {strides = array<i32>} : memref<16x16xf32, #tpu.memory_space<vmem>>, vector<16xf32>,
      %add3A_922 = arith.constant 13 : i32
      %add3A_923 = arith.addi %mul3A_26, %add3A_922 : i32
      %get3A_924 = arith.index_cast %add3A_923 : i32 to index
      %get3A_925 = arith.constant 0 : index
      %get3A_926 = tpu.vector_load %arg12[%get3A_924, %get3A_925] {strides = array<i32>} : memref<128x128xf32, #tpu.memory_space<vmem>>, vector<16xf32>,
      %get3A_927 = arith.index_cast %add3A_923 : i32 to index
      %get3A_928 = arith.constant 0 : index
      %get3A_929 = tpu.vector_load %arg13[%get3A_927, %get3A_928] {strides = array<i32>} : memref<128x128xf32, #tpu.memory_space<vmem>>, vector<16xf32>,
      %mul3A_930 = arith.mulf %get3A_926, %get3A_929 : vector<16xf32>
      %get3A_931 = arith.index_cast %add3A_923 : i32 to index
      %get3A_932 = arith.constant 16 : index
      %get3A_933 = tpu.vector_load %arg12[%get3A_931, %get3A_932] {strides = array<i32>} : memref<128x128xf32, #tpu.memory_space<vmem>>, vector<16xf32>,
      %get3A_934 = arith.index_cast %add3A_923 : i32 to index
      %get3A_935 = arith.constant 16 : index
      %get3A_936 = tpu.vector_load %arg13[%get3A_934, %get3A_935] {strides = array<i32>} : memref<128x128xf32, #tpu.memory_space<vmem>>, vector<16xf32>,
      %mul3A_937 = arith.mulf %get3A_933, %get3A_936 : vector<16xf32>
      %add3A_938 = arith.addf %mul3A_930, %mul3A_937 : vector<16xf32>
      %get3A_939 = arith.index_cast %add3A_923 : i32 to index
      %get3A_940 = arith.constant 32 : index
      %get3A_941 = tpu.vector_load %arg12[%get3A_939, %get3A_940] {strides = array<i32>} : memref<128x128xf32, #tpu.memory_space<vmem>>, vector<16xf32>,
      %get3A_942 = arith.index_cast %add3A_923 : i32 to index
      %get3A_943 = arith.constant 32 : index
      %get3A_944 = tpu.vector_load %arg13[%get3A_942, %get3A_943] {strides = array<i32>} : memref<128x128xf32, #tpu.memory_space<vmem>>, vector<16xf32>,
      %mul3A_945 = arith.mulf %get3A_941, %get3A_944 : vector<16xf32>
      %add3A_946 = arith.addf %add3A_938, %mul3A_945 : vector<16xf32>
      %get3A_947 = arith.index_cast %add3A_923 : i32 to index
      %get3A_948 = arith.constant 48 : index
      %get3A_949 = tpu.vector_load %arg12[%get3A_947, %get3A_948] {strides = array<i32>} : memref<128x128xf32, #tpu.memory_space<vmem>>, vector<16xf32>,
      %get3A_950 = arith.index_cast %add3A_923 : i32 to index
      %get3A_951 = arith.constant 48 : index
      %get3A_952 = tpu.vector_load %arg13[%get3A_950, %get3A_951] {strides = array<i32>} : memref<128x128xf32, #tpu.memory_space<vmem>>, vector<16xf32>,
      %mul3A_953 = arith.mulf %get3A_949, %get3A_952 : vector<16xf32>
      %add3A_954 = arith.addf %add3A_946, %mul3A_953 : vector<16xf32>
      %get3A_955 = arith.index_cast %add3A_923 : i32 to index
      %get3A_956 = arith.constant 64 : index
      %get3A_957 = tpu.vector_load %arg12[%get3A_955, %get3A_956] {strides = array<i32>} : memref<128x128xf32, #tpu.memory_space<vmem>>, vector<16xf32>,
      %get3A_958 = arith.index_cast %add3A_923 : i32 to index
      %get3A_959 = arith.constant 64 : index
      %get3A_960 = tpu.vector_load %arg13[%get3A_958, %get3A_959] {strides = array<i32>} : memref<128x128xf32, #tpu.memory_space<vmem>>, vector<16xf32>,
      %mul3A_961 = arith.mulf %get3A_957, %get3A_960 : vector<16xf32>
      %add3A_962 = arith.addf %add3A_954, %mul3A_961 : vector<16xf32>
      %get3A_963 = arith.index_cast %add3A_923 : i32 to index
      %get3A_964 = arith.constant 80 : index
      %get3A_965 = tpu.vector_load %arg12[%get3A_963, %get3A_964] {strides = array<i32>} : memref<128x128xf32, #tpu.memory_space<vmem>>, vector<16xf32>,
      %get3A_966 = arith.index_cast %add3A_923 : i32 to index
      %get3A_967 = arith.constant 80 : index
      %get3A_968 = tpu.vector_load %arg13[%get3A_966, %get3A_967] {strides = array<i32>} : memref<128x128xf32, #tpu.memory_space<vmem>>, vector<16xf32>,
      %mul3A_969 = arith.mulf %get3A_965, %get3A_968 : vector<16xf32>
      %add3A_970 = arith.addf %add3A_962, %mul3A_969 : vector<16xf32>
      %get3A_971 = arith.index_cast %add3A_923 : i32 to index
      %get3A_972 = arith.constant 96 : index
      %get3A_973 = tpu.vector_load %arg12[%get3A_971, %get3A_972] {strides = array<i32>} : memref<128x128xf32, #tpu.memory_space<vmem>>, vector<16xf32>,
      %get3A_974 = arith.index_cast %add3A_923 : i32 to index
      %get3A_975 = arith.constant 96 : index
      %get3A_976 = tpu.vector_load %arg13[%get3A_974, %get3A_975] {strides = array<i32>} : memref<128x128xf32, #tpu.memory_space<vmem>>, vector<16xf32>,
      %mul3A_977 = arith.mulf %get3A_973, %get3A_976 : vector<16xf32>
      %add3A_978 = arith.addf %add3A_970, %mul3A_977 : vector<16xf32>
      %get3A_979 = arith.index_cast %add3A_923 : i32 to index
      %get3A_980 = arith.constant 112 : index
      %get3A_981 = tpu.vector_load %arg12[%get3A_979, %get3A_980] {strides = array<i32>} : memref<128x128xf32, #tpu.memory_space<vmem>>, vector<16xf32>,
      %get3A_982 = arith.index_cast %add3A_923 : i32 to index
      %get3A_983 = arith.constant 112 : index
      %get3A_984 = tpu.vector_load %arg13[%get3A_982, %get3A_983] {strides = array<i32>} : memref<128x128xf32, #tpu.memory_space<vmem>>, vector<16xf32>,
      %mul3A_985 = arith.mulf %get3A_981, %get3A_984 : vector<16xf32>
      %add3A_986 = arith.addf %add3A_978, %mul3A_985 : vector<16xf32>
      %swap3A_987 = arith.constant 13 : i32
      %swap3A_988 = arith.index_cast %swap3A_987 : i32 to index
      %swap3A_989 = arith.constant 0 : index
      %swap3A_990 = tpu.vector_load %arg16[%swap3A_988, %swap3A_989] {strides = array<i32>} : memref<16x16xf32, #tpu.memory_space<vmem>>, vector<16xf32>,
      tpu.vector_store %arg16[%swap3A_988, %swap3A_989], %add3A_986 {strides = array<i32>} : memref<16x16xf32, #tpu.memory_space<vmem>>, vector<16xf32>,
      %add3A_991 = arith.constant 14 : i32
      %add3A_992 = arith.addi %mul3A_26, %add3A_991 : i32
      %get3A_993 = arith.index_cast %add3A_992 : i32 to index
      %get3A_994 = arith.constant 0 : index
      %get3A_995 = tpu.vector_load %arg12[%get3A_993, %get3A_994] {strides = array<i32>} : memref<128x128xf32, #tpu.memory_space<vmem>>, vector<16xf32>,
      %get3A_996 = arith.index_cast %add3A_992 : i32 to index
      %get3A_997 = arith.constant 0 : index
      %get3A_998 = tpu.vector_load %arg13[%get3A_996, %get3A_997] {strides = array<i32>} : memref<128x128xf32, #tpu.memory_space<vmem>>, vector<16xf32>,
      %mul3A_999 = arith.mulf %get3A_995, %get3A_998 : vector<16xf32>
      %get3A_1000 = arith.index_cast %add3A_992 : i32 to index
      %get3A_1001 = arith.constant 16 : index
      %get3A_1002 = tpu.vector_load %arg12[%get3A_1000, %get3A_1001] {strides = array<i32>} : memref<128x128xf32, #tpu.memory_space<vmem>>, vector<16xf32>,
      %get3A_1003 = arith.index_cast %add3A_992 : i32 to index
      %get3A_1004 = arith.constant 16 : index
      %get3A_1005 = tpu.vector_load %arg13[%get3A_1003, %get3A_1004] {strides = array<i32>} : memref<128x128xf32, #tpu.memory_space<vmem>>, vector<16xf32>,
      %mul3A_1006 = arith.mulf %get3A_1002, %get3A_1005 : vector<16xf32>
      %add3A_1007 = arith.addf %mul3A_999, %mul3A_1006 : vector<16xf32>
      %get3A_1008 = arith.index_cast %add3A_992 : i32 to index
      %get3A_1009 = arith.constant 32 : index
      %get3A_1010 = tpu.vector_load %arg12[%get3A_1008, %get3A_1009] {strides = array<i32>} : memref<128x128xf32, #tpu.memory_space<vmem>>, vector<16xf32>,
      %get3A_1011 = arith.index_cast %add3A_992 : i32 to index
      %get3A_1012 = arith.constant 32 : index
      %get3A_1013 = tpu.vector_load %arg13[%get3A_1011, %get3A_1012] {strides = array<i32>} : memref<128x128xf32, #tpu.memory_space<vmem>>, vector<16xf32>,
      %mul3A_1014 = arith.mulf %get3A_1010, %get3A_1013 : vector<16xf32>
      %add3A_1015 = arith.addf %add3A_1007, %mul3A_1014 : vector<16xf32>
      %get3A_1016 = arith.index_cast %add3A_992 : i32 to index
      %get3A_1017 = arith.constant 48 : index
      %get3A_1018 = tpu.vector_load %arg12[%get3A_1016, %get3A_1017] {strides = array<i32>} : memref<128x128xf32, #tpu.memory_space<vmem>>, vector<16xf32>,
      %get3A_1019 = arith.index_cast %add3A_992 : i32 to index
      %get3A_1020 = arith.constant 48 : index
      %get3A_1021 = tpu.vector_load %arg13[%get3A_1019, %get3A_1020] {strides = array<i32>} : memref<128x128xf32, #tpu.memory_space<vmem>>, vector<16xf32>,
      %mul3A_1022 = arith.mulf %get3A_1018, %get3A_1021 : vector<16xf32>
      %add3A_1023 = arith.addf %add3A_1015, %mul3A_1022 : vector<16xf32>
      %get3A_1024 = arith.index_cast %add3A_992 : i32 to index
      %get3A_1025 = arith.constant 64 : index
      %get3A_1026 = tpu.vector_load %arg12[%get3A_1024, %get3A_1025] {strides = array<i32>} : memref<128x128xf32, #tpu.memory_space<vmem>>, vector<16xf32>,
      %get3A_1027 = arith.index_cast %add3A_992 : i32 to index
      %get3A_1028 = arith.constant 64 : index
      %get3A_1029 = tpu.vector_load %arg13[%get3A_1027, %get3A_1028] {strides = array<i32>} : memref<128x128xf32, #tpu.memory_space<vmem>>, vector<16xf32>,
      %mul3A_1030 = arith.mulf %get3A_1026, %get3A_1029 : vector<16xf32>
      %add3A_1031 = arith.addf %add3A_1023, %mul3A_1030 : vector<16xf32>
      %get3A_1032 = arith.index_cast %add3A_992 : i32 to index
      %get3A_1033 = arith.constant 80 : index
      %get3A_1034 = tpu.vector_load %arg12[%get3A_1032, %get3A_1033] {strides = array<i32>} : memref<128x128xf32, #tpu.memory_space<vmem>>, vector<16xf32>,
      %get3A_1035 = arith.index_cast %add3A_992 : i32 to index
      %get3A_1036 = arith.constant 80 : index
      %get3A_1037 = tpu.vector_load %arg13[%get3A_1035, %get3A_1036] {strides = array<i32>} : memref<128x128xf32, #tpu.memory_space<vmem>>, vector<16xf32>,
      %mul3A_1038 = arith.mulf %get3A_1034, %get3A_1037 : vector<16xf32>
      %add3A_1039 = arith.addf %add3A_1031, %mul3A_1038 : vector<16xf32>
      %get3A_1040 = arith.index_cast %add3A_992 : i32 to index
      %get3A_1041 = arith.constant 96 : index
      %get3A_1042 = tpu.vector_load %arg12[%get3A_1040, %get3A_1041] {strides = array<i32>} : memref<128x128xf32, #tpu.memory_space<vmem>>, vector<16xf32>,
      %get3A_1043 = arith.index_cast %add3A_992 : i32 to index
      %get3A_1044 = arith.constant 96 : index
      %get3A_1045 = tpu.vector_load %arg13[%get3A_1043, %get3A_1044] {strides = array<i32>} : memref<128x128xf32, #tpu.memory_space<vmem>>, vector<16xf32>,
      %mul3A_1046 = arith.mulf %get3A_1042, %get3A_1045 : vector<16xf32>
      %add3A_1047 = arith.addf %add3A_1039, %mul3A_1046 : vector<16xf32>
      %get3A_1048 = arith.index_cast %add3A_992 : i32 to index
      %get3A_1049 = arith.constant 112 : index
      %get3A_1050 = tpu.vector_load %arg12[%get3A_1048, %get3A_1049] {strides = array<i32>} : memref<128x128xf32, #tpu.memory_space<vmem>>, vector<16xf32>,
      %get3A_1051 = arith.index_cast %add3A_992 : i32 to index
      %get3A_1052 = arith.constant 112 : index
      %get3A_1053 = tpu.vector_load %arg13[%get3A_1051, %get3A_1052] {strides = array<i32>} : memref<128x128xf32, #tpu.memory_space<vmem>>, vector<16xf32>,
      %mul3A_1054 = arith.mulf %get3A_1050, %get3A_1053 : vector<16xf32>
      %add3A_1055 = arith.addf %add3A_1047, %mul3A_1054 : vector<16xf32>
      %swap3A_1056 = arith.constant 14 : i32
      %swap3A_1057 = arith.index_cast %swap3A_1056 : i32 to index
      %swap3A_1058 = arith.constant 0 : index
      %swap3A_1059 = tpu.vector_load %arg16[%swap3A_1057, %swap3A_1058] {strides = array<i32>} : memref<16x16xf32, #tpu.memory_space<vmem>>, vector<16xf32>,
      tpu.vector_store %arg16[%swap3A_1057, %swap3A_1058], %add3A_1055 {strides = array<i32>} : memref<16x16xf32, #tpu.memory_space<vmem>>, vector<16xf32>,
      %add3A_1060 = arith.constant 15 : i32
      %add3A_1061 = arith.addi %mul3A_26, %add3A_1060 : i32
      %get3A_1062 = arith.index_cast %add3A_1061 : i32 to index
      %get3A_1063 = arith.constant 0 : index
      %get3A_1064 = tpu.vector_load %arg12[%get3A_1062, %get3A_1063] {strides = array<i32>} : memref<128x128xf32, #tpu.memory_space<vmem>>, vector<16xf32>,
      %get3A_1065 = arith.index_cast %add3A_1061 : i32 to index
      %get3A_1066 = arith.constant 0 : index
      %get3A_1067 = tpu.vector_load %arg13[%get3A_1065, %get3A_1066] {strides = array<i32>} : memref<128x128xf32, #tpu.memory_space<vmem>>, vector<16xf32>,
      %mul3A_1068 = arith.mulf %get3A_1064, %get3A_1067 : vector<16xf32>
      %get3A_1069 = arith.index_cast %add3A_1061 : i32 to index
      %get3A_1070 = arith.constant 16 : index
      %get3A_1071 = tpu.vector_load %arg12[%get3A_1069, %get3A_1070] {strides = array<i32>} : memref<128x128xf32, #tpu.memory_space<vmem>>, vector<16xf32>,
      %get3A_1072 = arith.index_cast %add3A_1061 : i32 to index
      %get3A_1073 = arith.constant 16 : index
      %get3A_1074 = tpu.vector_load %arg13[%get3A_1072, %get3A_1073] {strides = array<i32>} : memref<128x128xf32, #tpu.memory_space<vmem>>, vector<16xf32>,
      %mul3A_1075 = arith.mulf %get3A_1071, %get3A_1074 : vector<16xf32>
      %add3A_1076 = arith.addf %mul3A_1068, %mul3A_1075 : vector<16xf32>
      %get3A_1077 = arith.index_cast %add3A_1061 : i32 to index
      %get3A_1078 = arith.constant 32 : index
      %get3A_1079 = tpu.vector_load %arg12[%get3A_1077, %get3A_1078] {strides = array<i32>} : memref<128x128xf32, #tpu.memory_space<vmem>>, vector<16xf32>,
      %get3A_1080 = arith.index_cast %add3A_1061 : i32 to index
      %get3A_1081 = arith.constant 32 : index
      %get3A_1082 = tpu.vector_load %arg13[%get3A_1080, %get3A_1081] {strides = array<i32>} : memref<128x128xf32, #tpu.memory_space<vmem>>, vector<16xf32>,
      %mul3A_1083 = arith.mulf %get3A_1079, %get3A_1082 : vector<16xf32>
      %add3A_1084 = arith.addf %add3A_1076, %mul3A_1083 : vector<16xf32>
      %get3A_1085 = arith.index_cast %add3A_1061 : i32 to index
      %get3A_1086 = arith.constant 48 : index
      %get3A_1087 = tpu.vector_load %arg12[%get3A_1085, %get3A_1086] {strides = array<i32>} : memref<128x128xf32, #tpu.memory_space<vmem>>, vector<16xf32>,
      %get3A_1088 = arith.index_cast %add3A_1061 : i32 to index
      %get3A_1089 = arith.constant 48 : index
      %get3A_1090 = tpu.vector_load %arg13[%get3A_1088, %get3A_1089] {strides = array<i32>} : memref<128x128xf32, #tpu.memory_space<vmem>>, vector<16xf32>,
      %mul3A_1091 = arith.mulf %get3A_1087, %get3A_1090 : vector<16xf32>
      %add3A_1092 = arith.addf %add3A_1084, %mul3A_1091 : vector<16xf32>
      %get3A_1093 = arith.index_cast %add3A_1061 : i32 to index
      %get3A_1094 = arith.constant 64 : index
      %get3A_1095 = tpu.vector_load %arg12[%get3A_1093, %get3A_1094] {strides = array<i32>} : memref<128x128xf32, #tpu.memory_space<vmem>>, vector<16xf32>,
      %get3A_1096 = arith.index_cast %add3A_1061 : i32 to index
      %get3A_1097 = arith.constant 64 : index
      %get3A_1098 = tpu.vector_load %arg13[%get3A_1096, %get3A_1097] {strides = array<i32>} : memref<128x128xf32, #tpu.memory_space<vmem>>, vector<16xf32>,
      %mul3A_1099 = arith.mulf %get3A_1095, %get3A_1098 : vector<16xf32>
      %add3A_1100 = arith.addf %add3A_1092, %mul3A_1099 : vector<16xf32>
      %get3A_1101 = arith.index_cast %add3A_1061 : i32 to index
      %get3A_1102 = arith.constant 80 : index
      %get3A_1103 = tpu.vector_load %arg12[%get3A_1101, %get3A_1102] {strides = array<i32>} : memref<128x128xf32, #tpu.memory_space<vmem>>, vector<16xf32>,
      %get3A_1104 = arith.index_cast %add3A_1061 : i32 to index
      %get3A_1105 = arith.constant 80 : index
      %get3A_1106 = tpu.vector_load %arg13[%get3A_1104, %get3A_1105] {strides = array<i32>} : memref<128x128xf32, #tpu.memory_space<vmem>>, vector<16xf32>,
      %mul3A_1107 = arith.mulf %get3A_1103, %get3A_1106 : vector<16xf32>
      %add3A_1108 = arith.addf %add3A_1100, %mul3A_1107 : vector<16xf32>
      %get3A_1109 = arith.index_cast %add3A_1061 : i32 to index
      %get3A_1110 = arith.constant 96 : index
      %get3A_1111 = tpu.vector_load %arg12[%get3A_1109, %get3A_1110] {strides = array<i32>} : memref<128x128xf32, #tpu.memory_space<vmem>>, vector<16xf32>,
      %get3A_1112 = arith.index_cast %add3A_1061 : i32 to index
      %get3A_1113 = arith.constant 96 : index
      %get3A_1114 = tpu.vector_load %arg13[%get3A_1112, %get3A_1113] {strides = array<i32>} : memref<128x128xf32, #tpu.memory_space<vmem>>, vector<16xf32>,
      %mul3A_1115 = arith.mulf %get3A_1111, %get3A_1114 : vector<16xf32>
      %add3A_1116 = arith.addf %add3A_1108, %mul3A_1115 : vector<16xf32>
      %get3A_1117 = arith.index_cast %add3A_1061 : i32 to index
      %get3A_1118 = arith.constant 112 : index
      %get3A_1119 = tpu.vector_load %arg12[%get3A_1117, %get3A_1118] {strides = array<i32>} : memref<128x128xf32, #tpu.memory_space<vmem>>, vector<16xf32>,
      %get3A_1120 = arith.index_cast %add3A_1061 : i32 to index
      %get3A_1121 = arith.constant 112 : index
      %get3A_1122 = tpu.vector_load %arg13[%get3A_1120, %get3A_1121] {strides = array<i32>} : memref<128x128xf32, #tpu.memory_space<vmem>>, vector<16xf32>,
      %mul3A_1123 = arith.mulf %get3A_1119, %get3A_1122 : vector<16xf32>
      %add3A_1124 = arith.addf %add3A_1116, %mul3A_1123 : vector<16xf32>
      %swap3A_1125 = arith.constant 15 : i32
      %swap3A_1126 = arith.index_cast %swap3A_1125 : i32 to index
      %swap3A_1127 = arith.constant 0 : index
      %swap3A_1128 = tpu.vector_load %arg16[%swap3A_1126, %swap3A_1127] {strides = array<i32>} : memref<16x16xf32, #tpu.memory_space<vmem>>, vector<16xf32>,
      tpu.vector_store %arg16[%swap3A_1126, %swap3A_1127], %add3A_1124 {strides = array<i32>} : memref<16x16xf32, #tpu.memory_space<vmem>>, vector<16xf32>,
      %broadcast_in_dim3A = arith.constant 0 : i32
      %broadcast_in_dim3A_1129 = vector.broadcast %broadcast_in_dim3A : i32 to vector<16xi32>
      %gather3A = tpu.vector_load_idx %arg16[%iota3A, %broadcast_in_dim3A_1129] : memref<16x16xf32, #tpu.memory_space<vmem>>[vector<16xi32>, vector<16xi32>], vector<16xf32>,
      %broadcast_in_dim3A_1130 = arith.constant 1 : i32
      %broadcast_in_dim3A_1131 = vector.broadcast %broadcast_in_dim3A_1130 : i32 to vector<16xi32>
      %gather3A_1132 = tpu.vector_load_idx %arg16[%iota3A, %broadcast_in_dim3A_1131] : memref<16x16xf32, #tpu.memory_space<vmem>>[vector<16xi32>, vector<16xi32>], vector<16xf32>,
      %add3A_1133 = arith.addf %gather3A, %gather3A_1132 : vector<16xf32>
      %broadcast_in_dim3A_1134 = arith.constant 2 : i32
      %broadcast_in_dim3A_1135 = vector.broadcast %broadcast_in_dim3A_1134 : i32 to vector<16xi32>
      %gather3A_1136 = tpu.vector_load_idx %arg16[%iota3A, %broadcast_in_dim3A_1135] : memref<16x16xf32, #tpu.memory_space<vmem>>[vector<16xi32>, vector<16xi32>], vector<16xf32>,
      %add3A_1137 = arith.addf %add3A_1133, %gather3A_1136 : vector<16xf32>
      %broadcast_in_dim3A_1138 = arith.constant 3 : i32
      %broadcast_in_dim3A_1139 = vector.broadcast %broadcast_in_dim3A_1138 : i32 to vector<16xi32>
      %gather3A_1140 = tpu.vector_load_idx %arg16[%iota3A, %broadcast_in_dim3A_1139] : memref<16x16xf32, #tpu.memory_space<vmem>>[vector<16xi32>, vector<16xi32>], vector<16xf32>,
      %add3A_1141 = arith.addf %add3A_1137, %gather3A_1140 : vector<16xf32>
      %broadcast_in_dim3A_1142 = arith.constant 4 : i32
      %broadcast_in_dim3A_1143 = vector.broadcast %broadcast_in_dim3A_1142 : i32 to vector<16xi32>
      %gather3A_1144 = tpu.vector_load_idx %arg16[%iota3A, %broadcast_in_dim3A_1143] : memref<16x16xf32, #tpu.memory_space<vmem>>[vector<16xi32>, vector<16xi32>], vector<16xf32>,
      %add3A_1145 = arith.addf %add3A_1141, %gather3A_1144 : vector<16xf32>
      %broadcast_in_dim3A_1146 = arith.constant 5 : i32
      %broadcast_in_dim3A_1147 = vector.broadcast %broadcast_in_dim3A_1146 : i32 to vector<16xi32>
      %gather3A_1148 = tpu.vector_load_idx %arg16[%iota3A, %broadcast_in_dim3A_1147] : memref<16x16xf32, #tpu.memory_space<vmem>>[vector<16xi32>, vector<16xi32>], vector<16xf32>,
      %add3A_1149 = arith.addf %add3A_1145, %gather3A_1148 : vector<16xf32>
      %broadcast_in_dim3A_1150 = arith.constant 6 : i32
      %broadcast_in_dim3A_1151 = vector.broadcast %broadcast_in_dim3A_1150 : i32 to vector<16xi32>
      %gather3A_1152 = tpu.vector_load_idx %arg16[%iota3A, %broadcast_in_dim3A_1151] : memref<16x16xf32, #tpu.memory_space<vmem>>[vector<16xi32>, vector<16xi32>], vector<16xf32>,
      %add3A_1153 = arith.addf %add3A_1149, %gather3A_1152 : vector<16xf32>
      %broadcast_in_dim3A_1154 = arith.constant 7 : i32
      %broadcast_in_dim3A_1155 = vector.broadcast %broadcast_in_dim3A_1154 : i32 to vector<16xi32>
      %gather3A_1156 = tpu.vector_load_idx %arg16[%iota3A, %broadcast_in_dim3A_1155] : memref<16x16xf32, #tpu.memory_space<vmem>>[vector<16xi32>, vector<16xi32>], vector<16xf32>,
      %add3A_1157 = arith.addf %add3A_1153, %gather3A_1156 : vector<16xf32>
      %broadcast_in_dim3A_1158 = arith.constant 8 : i32
      %broadcast_in_dim3A_1159 = vector.broadcast %broadcast_in_dim3A_1158 : i32 to vector<16xi32>
      %gather3A_1160 = tpu.vector_load_idx %arg16[%iota3A, %broadcast_in_dim3A_1159] : memref<16x16xf32, #tpu.memory_space<vmem>>[vector<16xi32>, vector<16xi32>], vector<16xf32>,
      %add3A_1161 = arith.addf %add3A_1157, %gather3A_1160 : vector<16xf32>
      %broadcast_in_dim3A_1162 = arith.constant 9 : i32
      %broadcast_in_dim3A_1163 = vector.broadcast %broadcast_in_dim3A_1162 : i32 to vector<16xi32>
      %gather3A_1164 = tpu.vector_load_idx %arg16[%iota3A, %broadcast_in_dim3A_1163] : memref<16x16xf32, #tpu.memory_space<vmem>>[vector<16xi32>, vector<16xi32>], vector<16xf32>,
      %add3A_1165 = arith.addf %add3A_1161, %gather3A_1164 : vector<16xf32>
      %broadcast_in_dim3A_1166 = arith.constant 10 : i32
      %broadcast_in_dim3A_1167 = vector.broadcast %broadcast_in_dim3A_1166 : i32 to vector<16xi32>
      %gather3A_1168 = tpu.vector_load_idx %arg16[%iota3A, %broadcast_in_dim3A_1167] : memref<16x16xf32, #tpu.memory_space<vmem>>[vector<16xi32>, vector<16xi32>], vector<16xf32>,
      %add3A_1169 = arith.addf %add3A_1165, %gather3A_1168 : vector<16xf32>
      %broadcast_in_dim3A_1170 = arith.constant 11 : i32
      %broadcast_in_dim3A_1171 = vector.broadcast %broadcast_in_dim3A_1170 : i32 to vector<16xi32>
      %gather3A_1172 = tpu.vector_load_idx %arg16[%iota3A, %broadcast_in_dim3A_1171] : memref<16x16xf32, #tpu.memory_space<vmem>>[vector<16xi32>, vector<16xi32>], vector<16xf32>,
      %add3A_1173 = arith.addf %add3A_1169, %gather3A_1172 : vector<16xf32>
      %broadcast_in_dim3A_1174 = arith.constant 12 : i32
      %broadcast_in_dim3A_1175 = vector.broadcast %broadcast_in_dim3A_1174 : i32 to vector<16xi32>
      %gather3A_1176 = tpu.vector_load_idx %arg16[%iota3A, %broadcast_in_dim3A_1175] : memref<16x16xf32, #tpu.memory_space<vmem>>[vector<16xi32>, vector<16xi32>], vector<16xf32>,
      %add3A_1177 = arith.addf %add3A_1173, %gather3A_1176 : vector<16xf32>
      %broadcast_in_dim3A_1178 = arith.constant 13 : i32
      %broadcast_in_dim3A_1179 = vector.broadcast %broadcast_in_dim3A_1178 : i32 to vector<16xi32>
      %gather3A_1180 = tpu.vector_load_idx %arg16[%iota3A, %broadcast_in_dim3A_1179] : memref<16x16xf32, #tpu.memory_space<vmem>>[vector<16xi32>, vector<16xi32>], vector<16xf32>,
      %add3A_1181 = arith.addf %add3A_1177, %gather3A_1180 : vector<16xf32>
      %broadcast_in_dim3A_1182 = arith.constant 14 : i32
      %broadcast_in_dim3A_1183 = vector.broadcast %broadcast_in_dim3A_1182 : i32 to vector<16xi32>
      %gather3A_1184 = tpu.vector_load_idx %arg16[%iota3A, %broadcast_in_dim3A_1183] : memref<16x16xf32, #tpu.memory_space<vmem>>[vector<16xi32>, vector<16xi32>], vector<16xf32>,
      %add3A_1185 = arith.addf %add3A_1181, %gather3A_1184 : vector<16xf32>
      %broadcast_in_dim3A_1186 = arith.constant 15 : i32
      %broadcast_in_dim3A_1187 = vector.broadcast %broadcast_in_dim3A_1186 : i32 to vector<16xi32>
      %gather3A_1188 = tpu.vector_load_idx %arg16[%iota3A, %broadcast_in_dim3A_1187] : memref<16x16xf32, #tpu.memory_space<vmem>>[vector<16xi32>, vector<16xi32>], vector<16xf32>,
      %add3A_1189 = arith.addf %add3A_1185, %gather3A_1188 : vector<16xf32>
      %swap3A_1190 = arith.index_cast %mul3A_26 : i32 to index
      %swap3A_1191 = tpu.vector_load %arg17[%swap3A_1190] {strides = array<i32>} : memref<128xf32, #tpu.memory_space<vmem>>, vector<16xf32>,
      tpu.vector_store %arg17[%swap3A_1190], %add3A_1189 {strides = array<i32>} : memref<128xf32, #tpu.memory_space<vmem>>, vector<16xf32>,
    }
    %scan3A_23 = arith.constant 8 : i32
    "tpu.region"() ({
      %run_scoped3A = tpu.sem_alloc : memref<!tpu.dma_semaphore, #tpu.memory_space<semaphore_mem>>
      %dma_start3A_24 = tpu.memref_slice %arg8[%mul3A_2] : memref<4096xf32, #tpu.memory_space<hbm>> -> memref<128xf32, #tpu.memory_space<hbm>>
      %dma_start3A_25 = tpu.memref_slice %arg8[%mul3A_2] : memref<4096xf32, #tpu.memory_space<hbm>> -> memref<128xf32, #tpu.memory_space<hbm>>
      tpu.enqueue_dma source(%arg17 : memref<128xf32, #tpu.memory_space<vmem>>) target(%dma_start3A_25 : memref<128xf32, #tpu.memory_space<hbm>>) target_semaphore(%run_scoped3A : memref<!tpu.dma_semaphore, #tpu.memory_space<semaphore_mem>>)
      %dma_wait3A_26 = tpu.memref_slice %arg8[%mul3A_2] : memref<4096xf32, #tpu.memory_space<hbm>> -> memref<128xf32, #tpu.memory_space<hbm>>
      %dma_wait3A_27 = tpu.memref_slice %arg8[%mul3A_2] : memref<4096xf32, #tpu.memory_space<hbm>> -> memref<128xf32, #tpu.memory_space<hbm>>
      tpu.wait_dma2 semaphore(%run_scoped3A : memref<!tpu.dma_semaphore, #tpu.memory_space<semaphore_mem>>) src(%arg17 : memref<128xf32, #tpu.memory_space<vmem>>) dst(%dma_wait3A_27 : memref<128xf32, #tpu.memory_space<hbm>>)
      tpu.yield
    }) : () -> ()
    "tpu.region"() ({
      %run_scoped3A = tpu.sem_alloc : memref<!tpu.dma_semaphore, #tpu.memory_space<semaphore_mem>>
      %dma_start3A_24 = tpu.memref_slice %arg9[%mul3A_2] : memref<4096xf32, #tpu.memory_space<hbm>> -> memref<128xf32, #tpu.memory_space<hbm>>
      %dma_start3A_25 = tpu.memref_slice %arg9[%mul3A_2] : memref<4096xf32, #tpu.memory_space<hbm>> -> memref<128xf32, #tpu.memory_space<hbm>>
      tpu.enqueue_dma source(%arg18 : memref<128xf32, #tpu.memory_space<vmem>>) target(%dma_start3A_25 : memref<128xf32, #tpu.memory_space<hbm>>) target_semaphore(%run_scoped3A : memref<!tpu.dma_semaphore, #tpu.memory_space<semaphore_mem>>)
      %dma_wait3A_26 = tpu.memref_slice %arg9[%mul3A_2] : memref<4096xf32, #tpu.memory_space<hbm>> -> memref<128xf32, #tpu.memory_space<hbm>>
      %dma_wait3A_27 = tpu.memref_slice %arg9[%mul3A_2] : memref<4096xf32, #tpu.memory_space<hbm>> -> memref<128xf32, #tpu.memory_space<hbm>>
      tpu.wait_dma2 semaphore(%run_scoped3A : memref<!tpu.dma_semaphore, #tpu.memory_space<semaphore_mem>>) src(%arg18 : memref<128xf32, #tpu.memory_space<vmem>>) dst(%dma_wait3A_27 : memref<128xf32, #tpu.memory_space<hbm>>)
      tpu.yield
    }) : () -> ()
    return
  }
}

module attributes {stable_mosaic.version = 14 : i64} {
  func.func @_bcast_kernel(%arg0: i32, %arg1: memref<4096xf32, #tpu.memory_space<vmem>>, %arg2: memref<4096xf32, #tpu.memory_space<vmem>>, %arg3: memref<256x4096xf32, #tpu.memory_space<vmem>>, %arg4: memref<1x4096xf32, #tpu.memory_space<vmem>>) attributes {dimension_semantics = [#tpu.dimension_semantics<arbitrary>], iteration_bounds = array<i64: 16>, scalar_prefetch = 0 : i64, scratch_operands = 1 : i64, tpu.core_type = #tpu.core_type<tc>, window_params = [{pipeline_mode = #tpu.pipeline_mode<synchronous>, transform_indices = @transform_0, window_bounds = array<i64: 4096>}, {pipeline_mode = #tpu.pipeline_mode<synchronous>, transform_indices = @transform_1, window_bounds = array<i64: 4096>}, {transform_indices = @transform_2, window_bounds = array<i64: 256, 4096>}]} {
    %eq3A = arith.constant 0 : i32
    %eq3A_0 = arith.cmpi eq, %arg0, %eq3A : i32
    %convert_element_type3A = arith.extui %eq3A_0 : i1 to i32
    %cond3A = arith.constant 0 : i32
    %cond3A_1 = arith.cmpi ne, %convert_element_type3A, %cond3A : i32
    scf.if %cond3A_1 {
      %get3A_16 = arith.constant 0 : index
      %get3A_17 = vector.load %arg1[%get3A_16] : memref<4096xf32, #tpu.memory_space<vmem>>, vector<4096xf32>
      %reshape3A_18 = vector.shape_cast %get3A_17 : vector<4096xf32> to vector<1x4096xf32>
      %swap3A_19 = arith.constant 0 : index
      %swap3A_20 = arith.constant 0 : index
      %swap3A_21 = vector.load %arg4[%swap3A_19, %swap3A_20] : memref<1x4096xf32, #tpu.memory_space<vmem>>, vector<1x4096xf32>
      tpu.vector_store %arg4[%swap3A_19, %swap3A_20], %reshape3A_18 {strides = array<i32>} : memref<1x4096xf32, #tpu.memory_space<vmem>>, vector<1x4096xf32>,
    } else {
    }
    %iota3A = tpu.iota {dimensions = array<i32: 0>} : vector<256x256xi32>
    %iota3A_2 = tpu.iota {dimensions = array<i32: 1>} : vector<256x256xi32>
    %eq3A_3 = arith.cmpi eq, %iota3A, %iota3A_2 : vector<256x256xi32>
    %convert_element_type3A_4 = arith.extui %eq3A_3 : vector<256x256xi1> to vector<256x256xi32>
    %convert_element_type3A_5 = arith.sitofp %convert_element_type3A_4 : vector<256x256xi32> to vector<256x256xf32>
    %mul3A = arith.constant 256 : i32
    %mul3A_6 = arith.muli %arg0, %mul3A : i32
    %get3A = arith.index_cast %mul3A_6 : i32 to index
    %get3A_7 = vector.load %arg2[%get3A] : memref<4096xf32, #tpu.memory_space<vmem>>, vector<256xf32>
    %reshape3A = vector.shape_cast %get3A_7 : vector<256xf32> to vector<1x256xf32>
    %dot_general3A = arith.constant dense<0.000000e+00> : vector<256x1xf32>
    %dot_general3A_8 = tpu.matmul %convert_element_type3A_5, %reshape3A, %dot_general3A {dimension_numbers = #tpu.dot_dimension_numbers<[1], [1], [0], [0], [0, 0, 1, 0], [], []>, transpose_lhs_hint = false} : vector<256x256xf32>, vector<1x256xf32>, vector<256x1xf32> -> vector<256x1xf32>
    %get3A_9 = arith.constant 0 : index
    %get3A_10 = arith.constant 0 : index
    %get3A_11 = vector.load %arg4[%get3A_9, %get3A_10] : memref<1x4096xf32, #tpu.memory_space<vmem>>, vector<1x4096xf32>
    %add3A = vector.broadcast %dot_general3A_8 : vector<256x1xf32> to vector<256x4096xf32>
    %add3A_12 = vector.broadcast %get3A_11 : vector<1x4096xf32> to vector<256x4096xf32>
    %add3A_13 = arith.addf %add3A, %add3A_12 : vector<256x4096xf32>
    %swap3A = arith.constant 0 : index
    %swap3A_14 = arith.constant 0 : index
    %swap3A_15 = vector.load %arg3[%swap3A, %swap3A_14] : memref<256x4096xf32, #tpu.memory_space<vmem>>, vector<256x4096xf32>
    tpu.vector_store %arg3[%swap3A, %swap3A_14], %add3A_13 {strides = array<i32>} : memref<256x4096xf32, #tpu.memory_space<vmem>>, vector<256x4096xf32>,
    return
  }
  func.func @transform_0(%arg0: i32) -> i32 {
    %c0_i32 = arith.constant 0 : i32
    %c0_i32_0 = arith.constant 0 : i32
    return %c0_i32 : i32
  }
  func.func @transform_1(%arg0: i32) -> i32 {
    %c0_i32 = arith.constant 0 : i32
    %c0_i32_0 = arith.constant 0 : i32
    return %c0_i32 : i32
  }
  func.func @transform_2(%arg0: i32) -> (i32, i32) {
    %c0_i32 = arith.constant 0 : i32
    %c0_i32_0 = arith.constant 0 : i32
    return %arg0, %c0_i32 : i32, i32
  }
}

</mosaic_0001>

<sc_bundles>
// kernel: kernel.4.cloned.1.call-start
scs
__scs_entry_jumppad:
0x0: {  	(pc) =	sbr.rel $0x88, $3  }
0x1: {  	(tag) =	ssettag $0x0;
	lr =	simm.s32 $0x1  }
0x2: {  	[smem:$0x3F9B] =	sst lr;
	_ =	strace $0xD0000000  }
0x3: {  	_ = 	snop  }
0x4: {  	_ = 	snop  }
0x5: {  	_ = 	snop  }
0x6: {  	_ = 	snop  }
0x7: {  	_ = 	snop  }
__scs_overlays_trampoline_lowered:
0x8: {  	[smem:$0x3FAA] =	sst s0  }
0x9: {  	[smem:$0x3FAB] =	sst s1  }
0xa: {  	[smem:$0x3FAC] =	sst s2  }
0xb: {  	[smem:$0x3FAD] =	sst s3  }
0xc: {  	[smem:$0x3FAE] =	sst s4  }
0xd: {  	[smem:$0x3FAF] =	sst s5  }
0xe: {  	[smem:$0x3FB0] =	sst s6  }
0xf: {  	[smem:$0x3FB1] =	sst s7  }
0x10: {  	[smem:$0x3FB2] =	sst s8  }
0x11: {  	[smem:$0x3FB3] =	sst s9;
	s0 =	simm.s32 @!p0 $0x0  }
0x12: {  	s1 =	sld [smem:$0x3F99];
	s0 =	simm.s32 @p0 $0x1  }
0x13: {  	[smem:$0x3FB4] =	sst s0;
	s0 =	simm.s32 @!p1 $0x0  }
0x14: {  	s2 =	sld [smem:$0x3F98];
	s0 =	simm.s32 @p1 $0x1  }
0x15: {  	[smem:$0x3FB5] =	sst s0;
	s0 =	simm.s32 @!p2 $0x0  }
0x16: {  	s3 =	sld [smem:$0x3FDB];
	s0 =	simm.s32 @p2 $0x1  }
0x17: {  	s4 =	simm.s32 $0x1BF5;
	[smem:$0x3FB7] =	sst s0  }
0x18: {  	s0 =	sld [smem:$0x3F9A];
	_ =	swait.ge [sflag:s4], $0x0  }
0x19: {  	s7 =	sld [smem:$0x3F9B]  }
0x1a: {  	s8 =	sadd.s32 $0xFFFFE003, lr  }
0x1b: {  	s9 =	sadd.s32 $0xFFFFFEF7, lr;
	s5 =	simm.s32 $0xFFFFFFFF;
	p2 =	slt.u32 s8, $0xFFFFF086  }
0x1c: {  	p1 =	slt.u32 s9, $0xF7A;
	s5 =	simm.s32 @!p2 $0x0  }
0x1d: {  	s5 =	simm.s32 @p1 $0x1;
	p0 =	seq.s32 s7, s2  }
0x1e: {  	s7 =	smul.u32 @!p0 $0xF7A, s2;
	p2 =	seq.s32 @!p0 s5, $0x0  }
0x1f: {  	s9 =	smul.u32 $0xF7A, s1;
	s8 =	simm.s32 @!p0 $0x1BF5;
	p2 =	por !p2, p0  }
0x20: {  	[sflag:s8] =	ssyncset.s32 @!p0 $0xFFFFF086;
	s6 =	sadd.s32 @!p0 s3, s7;
	s7 =	simm.s32 @!p0 $0x108  }
0x21: {  	s3 =	sadd.s32 s3, s9;
	s6 =	sadd.s32 @!p0 $0x88, s6;
	s7 =	simm.s32 @p2 $0x1082  }
0x22: {  	[simem:s7], [sflag:s8] =	dma.local @!p0 [hbm:s6], $0xF7A  }
0x23: {  	s9 =	sor.u32 $0xD0000000, s2;
	s6 =	simm.s32 $0x108;
	_ =	swait.ge @!p0 [sflag:s8], $0x0  }
0x24: {  	s3 =	sadd.s32 $0x88, s3;
	s6 =	simm.s32 @!p1 $0x1082;
	[sflag:s4] =	ssyncset.s32 $0xFFFFF086  }
0x25: {  	[simem:s6], [sflag:s4] =	dma.local [hbm:s3], $0xF7A  }
0x26: {  	[smem:$0x3F9B] =	sst s1;
	(tag) =	ssettag s2;
	_ =	strace s9  }
0x27: {  	s1 =	sld [smem:$0x3FAB]  }
0x28: {  	s2 =	sld [smem:$0x3FAC]  }
0x29: {  	s4 =	sld [smem:$0x3FAE]  }
0x2a: {  	p0 =	seq.s32 s5, $0x0;
	s5 =	sld [smem:$0x3FAF]  }
0x2b: {  	s6 =	sld [smem:$0x3FB0]  }
0x2c: {  	s7 =	sld [smem:$0x3FB1]  }
0x2d: {  	s3 =	simm.s32 $0x108;
	s8 =	sld [smem:$0x3FB2]  }
0x2e: {  	s3 =	simm.s32 @!p0 $0x1082;
	s9 =	sld [smem:$0x3FB3]  }
0x2f: {  	lr =	sadd.s32 s0, s3;
	s0 =	sld [smem:$0x3FAA]  }
0x30: {  	s3 =	sld [smem:$0x3FAD]  }
0x31: {  	[smem:$0x3FB6] =	sst s10  }
0x32: {  	s10 =	sld [smem:$0x3FB4];
	_ =	sdelay $0x3  }
0x33: {  	p0 =	seq.s32 s10, $0x1;
	s10 =	sld [smem:$0x3FB6];
	_ =	sdelay $0x3  }
0x34: {  	[smem:$0x3FB6] =	sst s10  }
0x35: {  	s10 =	sld [smem:$0x3FB5];
	_ =	sdelay $0x3  }
0x36: {  	p1 =	seq.s32 s10, $0x1;
	s10 =	sld [smem:$0x3FB6];
	_ =	sdelay $0x3  }
0x37: {  	[smem:$0x3FB6] =	sst s10  }
0x38: {  	s10 =	sld [smem:$0x3FB7]  }
0x39: {  	_ = 	snop;
	(pc) =	sbr.ind lr, $3  }
0x3a: {  	_ = 	snop  }
0x3b: {  	_ = 	snop  }
0x3c: {  	p2 =	seq.s32 s10, $0x1;
	s10 =	sld [smem:$0x3FB6]  }
0x3d: {  	_ =	shalt  }
0x3e: {  	_ =	shalt  }
0x3f: {  	_ =	shalt  }
0x40: {  	_ =	shalt  }
0x41: {  	_ =	shalt  }
0x42: {  	_ =	shalt  }
0x43: {  	_ =	shalt  }
0x44: {  	_ =	shalt  }
0x45: {  	_ =	shalt  }
0x46: {  	_ =	shalt  }
0x47: {  	_ =	shalt  }
0x48: {  	_ =	shalt  }
0x49: {  	_ =	shalt  }
0x4a: {  	_ =	shalt  }
0x4b: {  	_ =	shalt  }
0x4c: {  	_ =	shalt  }
0x4d: {  	_ =	shalt  }
0x4e: {  	_ =	shalt  }
0x4f: {  	_ =	shalt  }
0x50: {  	_ =	shalt  }
0x51: {  	_ =	shalt  }
0x52: {  	_ =	shalt  }
0x53: {  	_ =	shalt  }
0x54: {  	_ =	shalt  }
0x55: {  	_ =	shalt  }
0x56: {  	_ =	shalt  }
0x57: {  	_ =	shalt  }
0x58: {  	_ =	shalt  }
0x59: {  	_ =	shalt  }
0x5a: {  	_ =	shalt  }
0x5b: {  	_ =	shalt  }
0x5c: {  	_ =	shalt  }
0x5d: {  	_ =	shalt  }
0x5e: {  	_ =	shalt  }
0x5f: {  	_ =	shalt  }
0x60: {  	_ =	shalt  }
0x61: {  	_ =	shalt  }
0x62: {  	_ =	shalt  }
0x63: {  	_ =	shalt  }
0x64: {  	_ =	shalt  }
0x65: {  	_ =	shalt  }
0x66: {  	_ =	shalt  }
0x67: {  	_ =	shalt  }
0x68: {  	_ =	shalt  }
0x69: {  	_ =	shalt  }
0x6a: {  	_ =	shalt  }
0x6b: {  	_ =	shalt  }
0x6c: {  	_ =	shalt  }
0x6d: {  	_ =	shalt  }
0x6e: {  	_ =	shalt  }
0x6f: {  	_ =	shalt  }
0x70: {  	_ =	shalt  }
0x71: {  	_ =	shalt  }
0x72: {  	_ =	shalt  }
0x73: {  	_ =	shalt  }
0x74: {  	_ =	shalt  }
0x75: {  	_ =	shalt  }
0x76: {  	_ =	shalt  }
0x77: {  	_ =	shalt  }
0x78: {  	_ =	shalt  }
0x79: {  	_ =	shalt  }
0x7a: {  	_ =	shalt  }
0x7b: {  	_ =	shalt  }
0x7c: {  	_ =	shalt  }
0x7d: {  	_ =	shalt  }
0x7e: {  	_ =	shalt  }
0x7f: {  	_ =	shalt  }
0x80: {  	_ =	shalt  }
0x81: {  	_ =	shalt  }
0x82: {  	_ =	shalt  }
0x83: {  	_ =	shalt  }
0x84: {  	_ =	shalt  }
0x85: {  	_ =	shalt  }
0x86: {  	_ =	shalt  }
0x87: {  	_ =	shalt  }
.Lfunc_end0:
.L_simem_size_0:
called_computation_lowered:
.L_overlay_start_0:
0x88: {  	s2 =	sld [smem:$0x3FD9]  }
0x89: {  	s3 =	sld [smem:$0x3FFE];
	_ =	sdelay $0x1  }
0x8a: {  	s1 =	srdreg.scid  }
0x8b: {  	s0 =	sand.u32 $0x1, s1  }
0x8c: {  	s17 =	sshll.u32 s0, $0xA;
	s2 =	sadd.s32 s3, s2  }
0x8d: {  	s2 =	sadd.s32 s2, s17  }
0x8e: {  	[smem:$0x3FC2] =	sst s2  }
0x8f: {  	_ = 	snop  }
0x90: {  	s2 =	sld [smem:$0x3FC9]  }
0x91: {  	s18 =	sld [smem:$0x3FC8]  }
0x92: {  	s4 =	sld [smem:$0x3FC7]  }
0x93: {  	s5 =	sld [smem:$0x3FC6]  }
0x94: {  	s6 =	sld [smem:$0x3FC5]  }
0x95: {  	s7 =	sld [smem:$0x3FC4]  }
0x96: {  	s8 =	sld [smem:$0x3FD0];
	(tm) =	ssettm $0x1  }
0x97: {  	s9 =	sld [smem:$0x3FFB];
	_ =	sdelay $0x3  }
0x98: {  	_ =	strace s9  }
0x99: {  	s9 =	sld [smem:$0x3FFC];
	_ =	sdelay $0x3  }
0x9a: {  	_ =	strace s9  }
0x9b: {  	s9 =	sld [smem:$0x3FFD];
	_ =	sdelay $0x3  }
0x9c: {  	_ =	strace s9  }
0x9d: {  	_ =	strace $0x8FFFFFFF  }
0x9e: {  	s19 =	sld [smem:$0x3FDB];
	_ =	sdelay $0x1  }
0x9f: {  	s10 =	simm.s32 $_scs_section_size  }
0xa0: {  	s11 =	simm.s32 $_size__tile_overlayer_lowered;
	s12 =	simm.s32 $_tile_overlayer_lowered  }
0xa1: {  	s22 =	simm.s32 $0x1BFF;
	s21 =	sshll.u32 s12, $0x1;
	s9 =	sadd.s32 s10, s19  }
0xa2: {  	s13 =	simm.s32 $0x0;
	s20 =	sshll.u32 s11, $0x1;
	s11 =	sadd.s32 s21, s9  }
0xa3: {  	[timem:s13], [sflag:s22] =	dma.local [hbm:s11], s20  }
0xa4: {  	_ =	swait.ge [sflag:s22], s20  }
0xa5: {  	s10 =	ssub.s32 $0x0, s20;
	[sflag:s22] =	ssyncset.done $0x0  }
0xa6: {  	[sflag:s22] =	ssyncadd.s32 s10;
	_ =	sdelay $0x1  }
0xa7: {  	s23 =	simm.s32 $0x1B8B  }
0xa8: {  	_ =	swait.ge [sflag:s23], $0x1  }
0xa9: {  	[sflag:s23] =	ssyncset.done $0x0  }
0xaa: {  	s25 =	simm.s32 $0x1B8E;
	s24 =	sld [smem:$0x3FFE];
	[sflag:s23] =	ssyncadd.s32 $0xFFFFFFFF  }
0xab: {  	s26 =	simm.s32 $execute0_lowered;
	[smem:$0x3FD2] =	sst s25  }
0xac: {  	s11 =	sshll.u32 s26, $0x1;
	_ =	strace $0x80000046;
	[dreg:$0x1] =	wrdreg $0xFFFFFFFF  }
0xad: {  	s28 =	simm.s32 $_size_execute0_lowered;
	s9 =	sadd.s32 s9, s11;
	[dreg:$0x0] =	wrdreg $0x0  }
0xae: {  	s11 =	sshll.u32 s28, $0x1;
	[dreg:$0x2] =	wrdreg s9  }
0xaf: {  	[dreg:$0x3] =	wrdreg s11  }
0xb0: {  	[dreg:$0x4] =	wrdreg $0xC0  }
0xb1: {  	_ =	task [dreg:s13], $0x5FFFF  }
0xb2: {  	[dreg:$0x1] =	wrdreg $0xFFFFFFFF  }
0xb3: {  	[dreg:$0x0] =	wrdreg $0x60  }
0xb4: {  	[dreg:$0x2] =	wrdreg s2  }
0xb5: {  	[dreg:$0x3] =	wrdreg s18  }
0xb6: {  	[dreg:$0x4] =	wrdreg s4  }
0xb7: {  	[dreg:$0x5] =	wrdreg s5  }
0xb8: {  	[dreg:$0x6] =	wrdreg s6  }
0xb9: {  	[dreg:$0x7] =	wrdreg s7  }
0xba: {  	[dreg:$0x8] =	wrdreg s8  }
0xbb: {  	[dreg:$0x9] =	wrdreg s24  }
0xbc: {  	[dreg:$0xa] =	wrdreg $0x9  }
0xbd: {  	_ =	task.clear_ibuf [dreg:s13], $0xBFFFF;
	_ =	strace $0x90000046  }
0xbe: {  	s29 =	simm.s32 $0x9;
	_ =	strace $0x80000048  }
0xbf: {  	_ =	swait.ge [sflag:s29], $0x1  }
0xc0: {  	[sflag:s29] =	ssyncadd.s32 $0xFFFFFFFF  }
0xc1: {  	_ =	strace $0x90000048  }
0xc2: {  	_ =	sfence  }
0xc3: {  	s30 =	sld [smem:$0x0];
	_ =	sdelay $0x2  }
0xc4: {  	s31 =	sshll.u32 s1, $0xD;
	s1 =	sshrl.u32 s1, $0x2  }
0xc5: {  	s3 =	sand.u32 $0x4000, s31;
	s1 =	sadd.s32 s1, s30  }
0xc6: {  	s0 =	sor.u32 s3, s0;
	s1 =	sshll.u32 s1, $0x11  }
0xc7: {  	s0 =	sor.u32 s1, s0  }
0xc8: {  	s0 =	sadd.s32 $0x8F2B, s0  }
0xc9: {  	[sflag:s0] =	ssyncadd.remote.s32 $0x1  }
0xca: {  	_ =	sfence.sel $0xFFFF  }
0xcb: {  	[dreg:$0x0] =	wrdreg $0xFFFFFFFF;
	(pc) =	sbr.abs _section_cstart, $3  }
0xcc: {  	[dreg:$0x1] =	wrdreg $0xFFFFFFFF  }
0xcd: {  	_ =	task.clear_ibuf [dreg:s13], $0x2FFFF;
	_ =	strace $0x9FFFFFFF  }
0xce: {  	(tm) =	ssettm $0x7FFFFFFF  }
0xcf: {  	_ =	shalt  }
tec
execute0_lowered:
.L_overlay_start_1:
0x0: {  	(tag) =	ssettag $0x1  }
0x1: {  	s7 =	rddreg [dreg:$0x0]  }
0x2: {  	s8 =	rddreg [dreg:$0x1]  }
0x3: {  	s1 =	rddreg [dreg:$0x2]  }
0x4: {  	s2 =	rddreg [dreg:$0x3]  }
0x5: {  	s3 =	rddreg [dreg:$0x4]  }
0x6: {  	s4 =	rddreg [dreg:$0x5]  }
0x7: {  	s9 =	rddreg [dreg:$0x6]  }
0x8: {  	s10 =	rddreg [dreg:$0x7]  }
0x9: {  	s0 =	rddreg [dreg:$0x8];
	s11 =	srdreg.scid  }
0xa: {  	s6 =	simm.s32 $0x0;
	s5 =	stileid.u32;
	s14 =	simm.s32 $0x100  }
0xb: {  	s15 =	simm.s32 $0x4100;
	s16 =	simm.s32 $0x8100;
	s17 =	simm.s32 $0x8200  }
0xc: {  	v0 =	vlaneseq.u32;
	s18 =	simm.s32 $0x3;
	s19 =	simm.s32 $0x1;
	s20 =	simm.s32 $0x2  }
0xd: {  	s21 =	simm.s32 $0x8300;
	s22 =	simm.s32 $0x8B00;
	s23 =	simm.s32 $0x8B80;
	v0 =	vmul.u32 $0x80, v0  }
0xe: {  	s24 =	simm.s32 $0x0;
	s11 =	sand.u32 $0x1, s11;
	s12 =	sshll.u32 s5, $0x5  }
0xf: {  	[smem:$0x7FF] =	sst s6;
	s13 =	sshll.u32 s11, $0x4;
	s11 =	ssub.s32 $0x2, s11;
	v1 =	vor.u32 $0x1, v0;
	v2 =	vor.u32 $0x2, v0;
	v3 =	vor.u32 $0x3, v0  }
0x10: {  	_ =	strace $0x80000047;
	s12 =	sor.u32 s13, s12;
	s31 =	sshrl.u32 s11, $0x1;
	v4 =	vor.u32 $0x4, v0;
	v5 =	vor.u32 $0x5, v0;
	v6 =	vor.u32 $0x6, v0  }
0x11: {  	s13 =	simm.s32 $0x80;
	v7 =	vor.u32 $0x7, v0;
	v8 =	vor.u32 $0x8, v0;
	v9 =	vor.u32 $0x9, v0;
	s10 =	sadd.s32 s12, s10;
	s11 =	ssub.s32 s11, s31  }
0x12: {  	v10 =	vor.u32 $0xA, v0;
	v11 =	vor.u32 $0xB, v0;
	v12 =	vor.u32 $0xC, v0;
	s7 =	sadd.s32 s7, s12;
	s8 =	sadd.s32 s8, s12;
	s9 =	sadd.s32 s9, s12  }
0x13: {  	v13 =	vor.u32 $0xD, v0;
	v14 =	vor.u32 $0xE, v0;
	v15 =	vor.u32 $0xF, v0;
	s12 =	simm.s32 $0x4;
	s10 =	sadd.s32 $0xC00, s10;
	s11 =	smax.u32 s11, $0x1  }
.LBB2_1:
0x14: {  	[tilespmem:s6], [sflag:$0x4] =	stream.linear.gather [hbm4b:s7+s6], $0x80, $0x38;
	[tilespmem:$0x8C00] =	vst v63  }
0x15: {  	_ =	swait.ge [sflag:s12], $0x80  }
0x16: {  	[sflag:s12] =	ssyncset.done $0x0  }
0x17: {  	[sflag:s12] =	ssyncadd.s32 $0xFFFFFF80  }
0x18: {  	[tilespmem:s13], [sflag:$0x4] =	stream.linear.gather [hbm4b:s8+s6], $0x80, $0x38;
	[tilespmem:$0x8C00] =	vst v63  }
0x19: {  	_ =	swait.ge [sflag:s12], $0x80  }
0x1a: {  	[sflag:s12] =	ssyncset.done $0x0  }
0x1b: {  	[sflag:s12] =	ssyncadd.s32 $0xFFFFFF80  }
0x1c: {  	[tilespmem:s14], [sflag:$0x1] =	stream.indirect.gather [hbm4b:s1+s13], $0x80, s6, s13, $0xb8;
	[tilespmem:$0x8C00] =	vst v63  }
0x1d: {  	_ = 	snop  }
0x1e: {  	[tilespmem:s15], [sflag:$0x2] =	stream.indirect.gather [hbm4b:s3+s13], $0x80, s13, s13, $0xb8;
	[tilespmem:$0x8C00] =	vst v63  }
0x1f: {  	_ = 	snop  }
0x20: {  	[tilespmem:s16], [sflag:$0x3] =	stream.linear.gather [hbm4b:s2+s6], $0x100, $0x38;
	[tilespmem:$0x8C00] =	vst v63  }
0x21: {  	_ = 	snop  }
0x22: {  	[tilespmem:s17], [sflag:$0x3] =	stream.linear.gather [hbm4b:s4+s6], $0x100, $0x38;
	[tilespmem:$0x8C00] =	vst v63  }
0x23: {  	_ =	swait.ge [sflag:s18], $0x100  }
0x24: {  	[sflag:s18] =	ssyncset.done $0x0  }
0x25: {  	[sflag:s18] =	ssyncadd.s32 $0xFFFFFF00  }
0x26: {  	_ =	swait.ge [sflag:s18], $0x100  }
0x27: {  	[sflag:s18] =	ssyncset.done $0x0  }
0x28: {  	[sflag:s18] =	ssyncadd.s32 $0xFFFFFF00  }
0x29: {  	v16 =	vld [tilespmem:$0x0]  }
0x2a: {  	v17 =	vld [tilespmem:$0x80];
	_ =	sdelay $0x5  }
0x2b: {  	v18 =	vld [tilespmem:$0x10]  }
0x2c: {  	v16 =	vld.idx.msk [tilespmem:v16+s16+$0x0], $0xffff  }
0x2d: {  	v17 =	vld.idx.msk [tilespmem:v17+s17+$0x0], $0xffff  }
0x2e: {  	v19 =	vld [tilespmem:$0x90];
	_ =	sdelay $0x3  }
0x2f: {  	v16 =	vadd.f32 v17, v16;
	_ =	sdelay $0x1  }
0x30: {  	v52 =	vld [tilespmem:$0x20];
	[tilespmem:$0x8B80] =	vst v16  }
0x31: {  	v16 =	vld.idx.msk [tilespmem:v18+s16+$0x0], $0xffff  }
0x32: {  	v17 =	vld.idx.msk [tilespmem:v19+s17+$0x0], $0xffff  }
0x33: {  	v53 =	vld [tilespmem:$0xA0];
	_ =	sdelay $0x3  }
0x34: {  	v16 =	vadd.f32 v17, v16;
	_ =	sdelay $0x1  }
0x35: {  	v54 =	vld [tilespmem:$0x30];
	[tilespmem:$0x8B90] =	vst v16  }
0x36: {  	v16 =	vld.idx.msk [tilespmem:v52+s16+$0x0], $0xffff  }
0x37: {  	v17 =	vld.idx.msk [tilespmem:v53+s17+$0x0], $0xffff  }
0x38: {  	v55 =	vld [tilespmem:$0xB0];
	_ =	sdelay $0x3  }
0x39: {  	v16 =	vadd.f32 v17, v16;
	_ =	sdelay $0x1  }
0x3a: {  	v56 =	vld [tilespmem:$0x40];
	[tilespmem:$0x8BA0] =	vst v16  }
0x3b: {  	v16 =	vld.idx.msk [tilespmem:v54+s16+$0x0], $0xffff  }
0x3c: {  	v17 =	vld.idx.msk [tilespmem:v55+s17+$0x0], $0xffff  }
0x3d: {  	v57 =	vld [tilespmem:$0xC0];
	_ =	sdelay $0x3  }
0x3e: {  	v16 =	vadd.f32 v17, v16;
	_ =	sdelay $0x1  }
0x3f: {  	v58 =	vld [tilespmem:$0x50];
	[tilespmem:$0x8BB0] =	vst v16  }
0x40: {  	v16 =	vld.idx.msk [tilespmem:v56+s16+$0x0], $0xffff  }
0x41: {  	v17 =	vld.idx.msk [tilespmem:v57+s17+$0x0], $0xffff  }
0x42: {  	v59 =	vld [tilespmem:$0xD0];
	_ =	sdelay $0x3  }
0x43: {  	v16 =	vadd.f32 v17, v16;
	_ =	sdelay $0x1  }
0x44: {  	v60 =	vld [tilespmem:$0x60];
	[tilespmem:$0x8BC0] =	vst v16  }
0x45: {  	v16 =	vld.idx.msk [tilespmem:v58+s16+$0x0], $0xffff  }
0x46: {  	v17 =	vld.idx.msk [tilespmem:v59+s17+$0x0], $0xffff  }
0x47: {  	v61 =	vld [tilespmem:$0xE0];
	_ =	sdelay $0x3  }
0x48: {  	v16 =	vadd.f32 v17, v16;
	_ =	sdelay $0x1  }
0x49: {  	v62 =	vld [tilespmem:$0x70];
	[tilespmem:$0x8BD0] =	vst v16  }
0x4a: {  	v16 =	vld.idx.msk [tilespmem:v60+s16+$0x0], $0xffff  }
0x4b: {  	v17 =	vld.idx.msk [tilespmem:v61+s17+$0x0], $0xffff  }
0x4c: {  	v63 =	vld [tilespmem:$0xF0];
	_ =	sdelay $0x3  }
0x4d: {  	v16 =	vadd.f32 v17, v16;
	_ =	sdelay $0x1  }
0x4e: {  	[tilespmem:$0x8BE0] =	vst v16  }
0x4f: {  	v16 =	vld.idx.msk [tilespmem:v62+s16+$0x0], $0xffff  }
0x50: {  	v17 =	vld.idx.msk [tilespmem:v63+s17+$0x0], $0xffff;
	_ =	sdelay $0x4  }
0x51: {  	v16 =	vadd.f32 v17, v16;
	_ =	sdelay $0x1  }
0x52: {  	[tilespmem:$0x8BF0] =	vst v16  }
0x53: {  	_ =	swait.ge [sflag:s19], $0x4000  }
0x54: {  	[sflag:s19] =	ssyncset.done $0x0  }
0x55: {  	[sflag:s19] =	ssyncadd.s32 $0xFFFFC000  }
0x56: {  	_ =	swait.ge [sflag:s20], $0x4000  }
0x57: {  	[sflag:s20] =	ssyncset.done $0x0  }
0x58: {  	s25 =	simm.s32 $0x0;
	[sflag:s20] =	ssyncadd.s32 $0xFFFFC000  }
.LBB2_2:
0x59: {  	s26 =	sshll.u32 s25, $0xB  }
0x5a: {  	v16 =	vld [tilespmem:s26+$0x100]  }
0x5b: {  	v17 =	vld [tilespmem:s26+$0x4100]  }
0x5c: {  	v18 =	vld [tilespmem:s26+$0x110]  }
0x5d: {  	v19 =	vld [tilespmem:s26+$0x4110]  }
0x5e: {  	v20 =	vld [tilespmem:s26+$0x120]  }
0x5f: {  	v21 =	vld [tilespmem:s26+$0x4120]  }
0x60: {  	v22 =	vld [tilespmem:s26+$0x130]  }
0x61: {  	v23 =	vld [tilespmem:s26+$0x4130]  }
0x62: {  	v36 =	vld [tilespmem:s26+$0x140];
	v16 =	vmul.f32 v17, v16;
	v17 =	vmul.f32 v19, v18  }
0x63: {  	v37 =	vld [tilespmem:s26+$0x4140]  }
0x64: {  	v38 =	vld [tilespmem:s26+$0x150];
	v16 =	vadd.f32 v17, v16;
	v17 =	vmul.f32 v21, v20  }
0x65: {  	v39 =	vld [tilespmem:s26+$0x4150]  }
0x66: {  	v40 =	vld [tilespmem:s26+$0x160];
	v16 =	vadd.f32 v17, v16;
	v17 =	vmul.f32 v23, v22  }
0x67: {  	v41 =	vld [tilespmem:s26+$0x4160]  }
0x68: {  	v42 =	vld [tilespmem:s26+$0x170];
	v16 =	vadd.f32 v17, v16;
	v17 =	vmul.f32 v37, v36  }
0x69: {  	v43 =	vld [tilespmem:s26+$0x4170]  }
0x6a: {  	v16 =	vadd.f32 v17, v16;
	v17 =	vmul.f32 v39, v38;
	_ =	sdelay $0x1  }
0x6b: {  	v16 =	vadd.f32 v17, v16;
	v17 =	vmul.f32 v41, v40;
	_ =	sdelay $0x1  }
0x6c: {  	v16 =	vadd.f32 v17, v16;
	v17 =	vmul.f32 v43, v42;
	_ =	sdelay $0x1  }
0x6d: {  	v16 =	vadd.f32 v17, v16;
	_ =	sdelay $0x1  }
0x6e: {  	[tilespmem:$0x8300] =	vst v16  }
0x6f: {  	v16 =	vld [tilespmem:s26+$0x180]  }
0x70: {  	v17 =	vld [tilespmem:s26+$0x4180]  }
0x71: {  	v44 =	vld [tilespmem:s26+$0x190]  }
0x72: {  	v45 =	vld [tilespmem:s26+$0x4190]  }
0x73: {  	v46 =	vld [tilespmem:s26+$0x1A0]  }
0x74: {  	v47 =	vld [tilespmem:s26+$0x41A0]  }
0x75: {  	v48 =	vld [tilespmem:s26+$0x1B0]  }
0x76: {  	v49 =	vld [tilespmem:s26+$0x41B0]  }
0x77: {  	v50 =	vld [tilespmem:s26+$0x1C0];
	v16 =	vmul.f32 v17, v16;
	v17 =	vmul.f32 v45, v44  }
0x78: {  	v51 =	vld [tilespmem:s26+$0x41C0]  }
0x79: {  	v52 =	vld [tilespmem:s26+$0x1D0];
	v16 =	vadd.f32 v17, v16;
	v17 =	vmul.f32 v47, v46  }
0x7a: {  	v53 =	vld [tilespmem:s26+$0x41D0]  }
0x7b: {  	v54 =	vld [tilespmem:s26+$0x1E0];
	v16 =	vadd.f32 v17, v16;
	v17 =	vmul.f32 v49, v48  }
0x7c: {  	v55 =	vld [tilespmem:s26+$0x41E0]  }
0x7d: {  	v56 =	vld [tilespmem:s26+$0x1F0];
	v16 =	vadd.f32 v17, v16;
	v17 =	vmul.f32 v51, v50  }
0x7e: {  	v57 =	vld [tilespmem:s26+$0x41F0]  }
0x7f: {  	v16 =	vadd.f32 v17, v16;
	v17 =	vmul.f32 v53, v52;
	_ =	sdelay $0x1  }
0x80: {  	v16 =	vadd.f32 v17, v16;
	v17 =	vmul.f32 v55, v54;
	_ =	sdelay $0x1  }
0x81: {  	v16 =	vadd.f32 v17, v16;
	v17 =	vmul.f32 v57, v56;
	_ =	sdelay $0x1  }
0x82: {  	v16 =	vadd.f32 v17, v16;
	_ =	sdelay $0x1  }
0x83: {  	[tilespmem:$0x8380] =	vst v16  }
0x84: {  	v16 =	vld [tilespmem:s26+$0x200]  }
0x85: {  	v17 =	vld [tilespmem:s26+$0x4200]  }
0x86: {  	v58 =	vld [tilespmem:s26+$0x210]  }
0x87: {  	v59 =	vld [tilespmem:s26+$0x4210]  }
0x88: {  	v60 =	vld [tilespmem:s26+$0x220]  }
0x89: {  	v61 =	vld [tilespmem:s26+$0x4220]  }
0x8a: {  	v62 =	vld [tilespmem:s26+$0x230]  }
0x8b: {  	v63 =	vld [tilespmem:s26+$0x4230]  }
0x8c: {  	v24 =	vld [tilespmem:s26+$0x240];
	v16 =	vmul.f32 v17, v16;
	v17 =	vmul.f32 v59, v58  }
0x8d: {  	v25 =	vld [tilespmem:s26+$0x4240]  }
0x8e: {  	v26 =	vld [tilespmem:s26+$0x250];
	v16 =	vadd.f32 v17, v16;
	v17 =	vmul.f32 v61, v60  }
0x8f: {  	v27 =	vld [tilespmem:s26+$0x4250]  }
0x90: {  	v28 =	vld [tilespmem:s26+$0x260];
	v16 =	vadd.f32 v17, v16;
	v17 =	vmul.f32 v63, v62  }
0x91: {  	v29 =	vld [tilespmem:s26+$0x4260]  }
0x92: {  	v30 =	vld [tilespmem:s26+$0x270];
	v16 =	vadd.f32 v17, v16;
	v17 =	vmul.f32 v25, v24  }
0x93: {  	v31 =	vld [tilespmem:s26+$0x4270]  }
0x94: {  	v16 =	vadd.f32 v17, v16;
	v17 =	vmul.f32 v27, v26;
	_ =	sdelay $0x1  }
0x95: {  	v16 =	vadd.f32 v17, v16;
	v17 =	vmul.f32 v29, v28;
	_ =	sdelay $0x1  }
0x96: {  	v16 =	vadd.f32 v17, v16;
	v17 =	vmul.f32 v31, v30;
	_ =	sdelay $0x1  }
0x97: {  	v16 =	vadd.f32 v17, v16;
	_ =	sdelay $0x1  }
0x98: {  	[tilespmem:$0x8400] =	vst v16  }
0x99: {  	v16 =	vld [tilespmem:s26+$0x280]  }
0x9a: {  	v17 =	vld [tilespmem:s26+$0x4280]  }
0x9b: {  	v32 =	vld [tilespmem:s26+$0x290]  }
0x9c: {  	v33 =	vld [tilespmem:s26+$0x4290]  }
0x9d: {  	v34 =	vld [tilespmem:s26+$0x2A0]  }
0x9e: {  	v35 =	vld [tilespmem:s26+$0x42A0]  }
0x9f: {  	v36 =	vld [tilespmem:s26+$0x2B0]  }
0xa0: {  	v37 =	vld [tilespmem:s26+$0x42B0]  }
0xa1: {  	v38 =	vld [tilespmem:s26+$0x2C0];
	v16 =	vmul.f32 v17, v16;
	v17 =	vmul.f32 v33, v32  }
0xa2: {  	v39 =	vld [tilespmem:s26+$0x42C0]  }
0xa3: {  	v40 =	vld [tilespmem:s26+$0x2D0];
	v16 =	vadd.f32 v17, v16;
	v17 =	vmul.f32 v35, v34  }
0xa4: {  	v41 =	vld [tilespmem:s26+$0x42D0]  }
0xa5: {  	v42 =	vld [tilespmem:s26+$0x2E0];
	v16 =	vadd.f32 v17, v16;
	v17 =	vmul.f32 v37, v36  }
0xa6: {  	v43 =	vld [tilespmem:s26+$0x42E0]  }
0xa7: {  	v44 =	vld [tilespmem:s26+$0x2F0];
	v16 =	vadd.f32 v17, v16;
	v17 =	vmul.f32 v39, v38  }
0xa8: {  	v45 =	vld [tilespmem:s26+$0x42F0]  }
0xa9: {  	v16 =	vadd.f32 v17, v16;
	v17 =	vmul.f32 v41, v40;
	_ =	sdelay $0x1  }
0xaa: {  	v16 =	vadd.f32 v17, v16;
	v17 =	vmul.f32 v43, v42;
	_ =	sdelay $0x1  }
0xab: {  	v16 =	vadd.f32 v17, v16;
	v17 =	vmul.f32 v45, v44;
	_ =	sdelay $0x1  }
0xac: {  	v16 =	vadd.f32 v17, v16;
	_ =	sdelay $0x1  }
0xad: {  	[tilespmem:$0x8480] =	vst v16  }
0xae: {  	v16 =	vld [tilespmem:s26+$0x300]  }
0xaf: {  	v17 =	vld [tilespmem:s26+$0x4300]  }
0xb0: {  	v46 =	vld [tilespmem:s26+$0x310]  }
0xb1: {  	v47 =	vld [tilespmem:s26+$0x4310]  }
0xb2: {  	v48 =	vld [tilespmem:s26+$0x320]  }
0xb3: {  	v49 =	vld [tilespmem:s26+$0x4320]  }
0xb4: {  	v50 =	vld [tilespmem:s26+$0x330]  }
0xb5: {  	v51 =	vld [tilespmem:s26+$0x4330]  }
0xb6: {  	v52 =	vld [tilespmem:s26+$0x340];
	v16 =	vmul.f32 v17, v16;
	v17 =	vmul.f32 v47, v46  }
0xb7: {  	v53 =	vld [tilespmem:s26+$0x4340]  }
0xb8: {  	v54 =	vld [tilespmem:s26+$0x350];
	v16 =	vadd.f32 v17, v16;
	v17 =	vmul.f32 v49, v48  }
0xb9: {  	v55 =	vld [tilespmem:s26+$0x4350]  }
0xba: {  	v56 =	vld [tilespmem:s26+$0x360];
	v16 =	vadd.f32 v17, v16;
	v17 =	vmul.f32 v51, v50  }
0xbb: {  	v57 =	vld [tilespmem:s26+$0x4360]  }
0xbc: {  	v58 =	vld [tilespmem:s26+$0x370];
	v16 =	vadd.f32 v17, v16;
	v17 =	vmul.f32 v53, v52  }
0xbd: {  	v59 =	vld [tilespmem:s26+$0x4370]  }
0xbe: {  	v16 =	vadd.f32 v17, v16;
	v17 =	vmul.f32 v55, v54;
	_ =	sdelay $0x1  }
0xbf: {  	v16 =	vadd.f32 v17, v16;
	v17 =	vmul.f32 v57, v56;
	_ =	sdelay $0x1  }
0xc0: {  	v16 =	vadd.f32 v17, v16;
	v17 =	vmul.f32 v59, v58;
	_ =	sdelay $0x1  }
0xc1: {  	v16 =	vadd.f32 v17, v16;
	_ =	sdelay $0x1  }
0xc2: {  	[tilespmem:$0x8500] =	vst v16  }
0xc3: {  	v16 =	vld [tilespmem:s26+$0x380]  }
0xc4: {  	v17 =	vld [tilespmem:s26+$0x4380]  }
0xc5: {  	v60 =	vld [tilespmem:s26+$0x390]  }
0xc6: {  	v61 =	vld [tilespmem:s26+$0x4390]  }
0xc7: {  	v62 =	vld [tilespmem:s26+$0x3A0]  }
0xc8: {  	v63 =	vld [tilespmem:s26+$0x43A0]  }
0xc9: {  	v24 =	vld [tilespmem:s26+$0x3B0]  }
0xca: {  	v25 =	vld [tilespmem:s26+$0x43B0]  }
0xcb: {  	v26 =	vld [tilespmem:s26+$0x3C0];
	v16 =	vmul.f32 v17, v16;
	v17 =	vmul.f32 v61, v60  }
0xcc: {  	v27 =	vld [tilespmem:s26+$0x43C0]  }
0xcd: {  	v28 =	vld [tilespmem:s26+$0x3D0];
	v16 =	vadd.f32 v17, v16;
	v17 =	vmul.f32 v63, v62  }
0xce: {  	v29 =	vld [tilespmem:s26+$0x43D0]  }
0xcf: {  	v30 =	vld [tilespmem:s26+$0x3E0];
	v16 =	vadd.f32 v17, v16;
	v17 =	vmul.f32 v25, v24  }
0xd0: {  	v31 =	vld [tilespmem:s26+$0x43E0]  }
0xd1: {  	v32 =	vld [tilespmem:s26+$0x3F0];
	v16 =	vadd.f32 v17, v16;
	v17 =	vmul.f32 v27, v26  }
0xd2: {  	v33 =	vld [tilespmem:s26+$0x43F0]  }
0xd3: {  	v16 =	vadd.f32 v17, v16;
	v17 =	vmul.f32 v29, v28;
	_ =	sdelay $0x1  }
0xd4: {  	v16 =	vadd.f32 v17, v16;
	v17 =	vmul.f32 v31, v30;
	_ =	sdelay $0x1  }
0xd5: {  	v16 =	vadd.f32 v17, v16;
	v17 =	vmul.f32 v33, v32;
	_ =	sdelay $0x1  }
0xd6: {  	v16 =	vadd.f32 v17, v16;
	_ =	sdelay $0x1  }
0xd7: {  	[tilespmem:$0x8580] =	vst v16  }
0xd8: {  	v16 =	vld [tilespmem:s26+$0x400]  }
0xd9: {  	v17 =	vld [tilespmem:s26+$0x4400]  }
0xda: {  	v34 =	vld [tilespmem:s26+$0x410]  }
0xdb: {  	v35 =	vld [tilespmem:s26+$0x4410]  }
0xdc: {  	v36 =	vld [tilespmem:s26+$0x420]  }
0xdd: {  	v37 =	vld [tilespmem:s26+$0x4420]  }
0xde: {  	v38 =	vld [tilespmem:s26+$0x430]  }
0xdf: {  	v39 =	vld [tilespmem:s26+$0x4430]  }
0xe0: {  	v40 =	vld [tilespmem:s26+$0x440];
	v16 =	vmul.f32 v17, v16;
	v17 =	vmul.f32 v35, v34  }
0xe1: {  	v41 =	vld [tilespmem:s26+$0x4440]  }
0xe2: {  	v42 =	vld [tilespmem:s26+$0x450];
	v16 =	vadd.f32 v17, v16;
	v17 =	vmul.f32 v37, v36  }
0xe3: {  	v43 =	vld [tilespmem:s26+$0x4450]  }
0xe4: {  	v44 =	vld [tilespmem:s26+$0x460];
	v16 =	vadd.f32 v17, v16;
	v17 =	vmul.f32 v39, v38  }
0xe5: {  	v45 =	vld [tilespmem:s26+$0x4460]  }
0xe6: {  	v46 =	vld [tilespmem:s26+$0x470];
	v16 =	vadd.f32 v17, v16;
	v17 =	vmul.f32 v41, v40  }
0xe7: {  	v47 =	vld [tilespmem:s26+$0x4470]  }
0xe8: {  	v16 =	vadd.f32 v17, v16;
	v17 =	vmul.f32 v43, v42;
	_ =	sdelay $0x1  }
0xe9: {  	v16 =	vadd.f32 v17, v16;
	v17 =	vmul.f32 v45, v44;
	_ =	sdelay $0x1  }
0xea: {  	v16 =	vadd.f32 v17, v16;
	v17 =	vmul.f32 v47, v46;
	_ =	sdelay $0x1  }
0xeb: {  	v16 =	vadd.f32 v17, v16;
	_ =	sdelay $0x1  }
0xec: {  	[tilespmem:$0x8600] =	vst v16  }
0xed: {  	v16 =	vld [tilespmem:s26+$0x480]  }
0xee: {  	v17 =	vld [tilespmem:s26+$0x4480]  }
0xef: {  	v48 =	vld [tilespmem:s26+$0x490]  }
0xf0: {  	v49 =	vld [tilespmem:s26+$0x4490]  }
0xf1: {  	v50 =	vld [tilespmem:s26+$0x4A0]  }
0xf2: {  	v51 =	vld [tilespmem:s26+$0x44A0]  }
0xf3: {  	v52 =	vld [tilespmem:s26+$0x4B0]  }
0xf4: {  	v53 =	vld [tilespmem:s26+$0x44B0]  }
0xf5: {  	v54 =	vld [tilespmem:s26+$0x4C0];
	v16 =	vmul.f32 v17, v16;
	v17 =	vmul.f32 v49, v48  }
0xf6: {  	v55 =	vld [tilespmem:s26+$0x44C0]  }
0xf7: {  	v56 =	vld [tilespmem:s26+$0x4D0];
	v16 =	vadd.f32 v17, v16;
	v17 =	vmul.f32 v51, v50  }
0xf8: {  	v57 =	vld [tilespmem:s26+$0x44D0]  }
0xf9: {  	v58 =	vld [tilespmem:s26+$0x4E0];
	v16 =	vadd.f32 v17, v16;
	v17 =	vmul.f32 v53, v52  }
0xfa: {  	v59 =	vld [tilespmem:s26+$0x44E0]  }
0xfb: {  	v60 =	vld [tilespmem:s26+$0x4F0];
	v16 =	vadd.f32 v17, v16;
	v17 =	vmul.f32 v55, v54  }
0xfc: {  	v61 =	vld [tilespmem:s26+$0x44F0]  }
0xfd: {  	v16 =	vadd.f32 v17, v16;
	v17 =	vmul.f32 v57, v56;
	_ =	sdelay $0x1  }
0xfe: {  	v16 =	vadd.f32 v17, v16;
	v17 =	vmul.f32 v59, v58;
	_ =	sdelay $0x1  }
0xff: {  	v16 =	vadd.f32 v17, v16;
	v17 =	vmul.f32 v61, v60;
	_ =	sdelay $0x1  }
0x100: {  	v16 =	vadd.f32 v17, v16;
	_ =	sdelay $0x1  }
0x101: {  	[tilespmem:$0x8680] =	vst v16  }
0x102: {  	v16 =	vld [tilespmem:s26+$0x500]  }
0x103: {  	v17 =	vld [tilespmem:s26+$0x4500]  }
0x104: {  	v62 =	vld [tilespmem:s26+$0x510]  }
0x105: {  	v63 =	vld [tilespmem:s26+$0x4510]  }
0x106: {  	v24 =	vld [tilespmem:s26+$0x520]  }
0x107: {  	v25 =	vld [tilespmem:s26+$0x4520]  }
0x108: {  	v26 =	vld [tilespmem:s26+$0x530]  }
0x109: {  	v27 =	vld [tilespmem:s26+$0x4530]  }
0x10a: {  	v28 =	vld [tilespmem:s26+$0x540];
	v16 =	vmul.f32 v17, v16;
	v17 =	vmul.f32 v63, v62  }
0x10b: {  	v29 =	vld [tilespmem:s26+$0x4540]  }
0x10c: {  	v30 =	vld [tilespmem:s26+$0x550];
	v16 =	vadd.f32 v17, v16;
	v17 =	vmul.f32 v25, v24  }
0x10d: {  	v31 =	vld [tilespmem:s26+$0x4550]  }
0x10e: {  	v32 =	vld [tilespmem:s26+$0x560];
	v16 =	vadd.f32 v17, v16;
	v17 =	vmul.f32 v27, v26  }
0x10f: {  	v33 =	vld [tilespmem:s26+$0x4560]  }
0x110: {  	v34 =	vld [tilespmem:s26+$0x570];
	v16 =	vadd.f32 v17, v16;
	v17 =	vmul.f32 v29, v28  }
0x111: {  	v35 =	vld [tilespmem:s26+$0x4570]  }
0x112: {  	v16 =	vadd.f32 v17, v16;
	v17 =	vmul.f32 v31, v30;
	_ =	sdelay $0x1  }
0x113: {  	v16 =	vadd.f32 v17, v16;
	v17 =	vmul.f32 v33, v32;
	_ =	sdelay $0x1  }
0x114: {  	v16 =	vadd.f32 v17, v16;
	v17 =	vmul.f32 v35, v34;
	_ =	sdelay $0x1  }
0x115: {  	v16 =	vadd.f32 v17, v16;
	_ =	sdelay $0x1  }
0x116: {  	[tilespmem:$0x8700] =	vst v16  }
0x117: {  	v16 =	vld [tilespmem:s26+$0x580]  }
0x118: {  	v17 =	vld [tilespmem:s26+$0x4580]  }
0x119: {  	v36 =	vld [tilespmem:s26+$0x590]  }
0x11a: {  	v37 =	vld [tilespmem:s26+$0x4590]  }
0x11b: {  	v38 =	vld [tilespmem:s26+$0x5A0]  }
0x11c: {  	v39 =	vld [tilespmem:s26+$0x45A0]  }
0x11d: {  	v40 =	vld [tilespmem:s26+$0x5B0]  }
0x11e: {  	v41 =	vld [tilespmem:s26+$0x45B0]  }
0x11f: {  	v42 =	vld [tilespmem:s26+$0x5C0];
	v16 =	vmul.f32 v17, v16;
	v17 =	vmul.f32 v37, v36  }
0x120: {  	v43 =	vld [tilespmem:s26+$0x45C0]  }
0x121: {  	v44 =	vld [tilespmem:s26+$0x5D0];
	v16 =	vadd.f32 v17, v16;
	v17 =	vmul.f32 v39, v38  }
0x122: {  	v45 =	vld [tilespmem:s26+$0x45D0]  }
0x123: {  	v46 =	vld [tilespmem:s26+$0x5E0];
	v16 =	vadd.f32 v17, v16;
	v17 =	vmul.f32 v41, v40  }
0x124: {  	v47 =	vld [tilespmem:s26+$0x45E0]  }
0x125: {  	v48 =	vld [tilespmem:s26+$0x5F0];
	v16 =	vadd.f32 v17, v16;
	v17 =	vmul.f32 v43, v42  }
0x126: {  	v49 =	vld [tilespmem:s26+$0x45F0]  }
0x127: {  	v16 =	vadd.f32 v17, v16;
	v17 =	vmul.f32 v45, v44;
	_ =	sdelay $0x1  }
0x128: {  	v16 =	vadd.f32 v17, v16;
	v17 =	vmul.f32 v47, v46;
	_ =	sdelay $0x1  }
0x129: {  	v16 =	vadd.f32 v17, v16;
	v17 =	vmul.f32 v49, v48;
	_ =	sdelay $0x1  }
0x12a: {  	v16 =	vadd.f32 v17, v16;
	_ =	sdelay $0x1  }
0x12b: {  	[tilespmem:$0x8780] =	vst v16  }
0x12c: {  	v16 =	vld [tilespmem:s26+$0x600]  }
0x12d: {  	v17 =	vld [tilespmem:s26+$0x4600]  }
0x12e: {  	v50 =	vld [tilespmem:s26+$0x610]  }
0x12f: {  	v51 =	vld [tilespmem:s26+$0x4610]  }
0x130: {  	v52 =	vld [tilespmem:s26+$0x620]  }
0x131: {  	v53 =	vld [tilespmem:s26+$0x4620]  }
0x132: {  	v54 =	vld [tilespmem:s26+$0x630]  }
0x133: {  	v55 =	vld [tilespmem:s26+$0x4630]  }
0x134: {  	v56 =	vld [tilespmem:s26+$0x640];
	v16 =	vmul.f32 v17, v16;
	v17 =	vmul.f32 v51, v50  }
0x135: {  	v57 =	vld [tilespmem:s26+$0x4640]  }
0x136: {  	v58 =	vld [tilespmem:s26+$0x650];
	v16 =	vadd.f32 v17, v16;
	v17 =	vmul.f32 v53, v52  }
0x137: {  	v59 =	vld [tilespmem:s26+$0x4650]  }
0x138: {  	v60 =	vld [tilespmem:s26+$0x660];
	v16 =	vadd.f32 v17, v16;
	v17 =	vmul.f32 v55, v54  }
0x139: {  	v61 =	vld [tilespmem:s26+$0x4660]  }
0x13a: {  	v62 =	vld [tilespmem:s26+$0x670];
	v16 =	vadd.f32 v17, v16;
	v17 =	vmul.f32 v57, v56  }
0x13b: {  	v63 =	vld [tilespmem:s26+$0x4670]  }
0x13c: {  	v16 =	vadd.f32 v17, v16;
	v17 =	vmul.f32 v59, v58;
	_ =	sdelay $0x1  }
0x13d: {  	v16 =	vadd.f32 v17, v16;
	v17 =	vmul.f32 v61, v60;
	_ =	sdelay $0x1  }
0x13e: {  	v16 =	vadd.f32 v17, v16;
	v17 =	vmul.f32 v63, v62;
	_ =	sdelay $0x1  }
0x13f: {  	v16 =	vadd.f32 v17, v16;
	_ =	sdelay $0x1  }
0x140: {  	[tilespmem:$0x8800] =	vst v16  }
0x141: {  	v16 =	vld [tilespmem:s26+$0x680]  }
0x142: {  	v17 =	vld [tilespmem:s26+$0x4680]  }
0x143: {  	v24 =	vld [tilespmem:s26+$0x690]  }
0x144: {  	v25 =	vld [tilespmem:s26+$0x4690]  }
0x145: {  	v26 =	vld [tilespmem:s26+$0x6A0]  }
0x146: {  	v27 =	vld [tilespmem:s26+$0x46A0]  }
0x147: {  	v28 =	vld [tilespmem:s26+$0x6B0]  }
0x148: {  	v29 =	vld [tilespmem:s26+$0x46B0]  }
0x149: {  	v30 =	vld [tilespmem:s26+$0x6C0];
	v16 =	vmul.f32 v17, v16;
	v17 =	vmul.f32 v25, v24  }
0x14a: {  	v31 =	vld [tilespmem:s26+$0x46C0]  }
0x14b: {  	v32 =	vld [tilespmem:s26+$0x6D0];
	v16 =	vadd.f32 v17, v16;
	v17 =	vmul.f32 v27, v26  }
0x14c: {  	v33 =	vld [tilespmem:s26+$0x46D0]  }
0x14d: {  	v34 =	vld [tilespmem:s26+$0x6E0];
	v16 =	vadd.f32 v17, v16;
	v17 =	vmul.f32 v29, v28  }
0x14e: {  	v35 =	vld [tilespmem:s26+$0x46E0]  }
0x14f: {  	v36 =	vld [tilespmem:s26+$0x6F0];
	v16 =	vadd.f32 v17, v16;
	v17 =	vmul.f32 v31, v30  }
0x150: {  	v37 =	vld [tilespmem:s26+$0x46F0]  }
0x151: {  	v16 =	vadd.f32 v17, v16;
	v17 =	vmul.f32 v33, v32;
	_ =	sdelay $0x1  }
0x152: {  	v16 =	vadd.f32 v17, v16;
	v17 =	vmul.f32 v35, v34;
	_ =	sdelay $0x1  }
0x153: {  	v16 =	vadd.f32 v17, v16;
	v17 =	vmul.f32 v37, v36;
	_ =	sdelay $0x1  }
0x154: {  	v16 =	vadd.f32 v17, v16;
	_ =	sdelay $0x1  }
0x155: {  	[tilespmem:$0x8880] =	vst v16  }
0x156: {  	v16 =	vld [tilespmem:s26+$0x700]  }
0x157: {  	v17 =	vld [tilespmem:s26+$0x4700]  }
0x158: {  	v38 =	vld [tilespmem:s26+$0x710]  }
0x159: {  	v39 =	vld [tilespmem:s26+$0x4710]  }
0x15a: {  	v40 =	vld [tilespmem:s26+$0x720]  }
0x15b: {  	v41 =	vld [tilespmem:s26+$0x4720]  }
0x15c: {  	v42 =	vld [tilespmem:s26+$0x730]  }
0x15d: {  	v43 =	vld [tilespmem:s26+$0x4730]  }
0x15e: {  	v44 =	vld [tilespmem:s26+$0x740];
	v16 =	vmul.f32 v17, v16;
	v17 =	vmul.f32 v39, v38  }
0x15f: {  	v45 =	vld [tilespmem:s26+$0x4740]  }
0x160: {  	v46 =	vld [tilespmem:s26+$0x750];
	v16 =	vadd.f32 v17, v16;
	v17 =	vmul.f32 v41, v40  }
0x161: {  	v47 =	vld [tilespmem:s26+$0x4750]  }
0x162: {  	v48 =	vld [tilespmem:s26+$0x760];
	v16 =	vadd.f32 v17, v16;
	v17 =	vmul.f32 v43, v42  }
0x163: {  	v49 =	vld [tilespmem:s26+$0x4760]  }
0x164: {  	v50 =	vld [tilespmem:s26+$0x770];
	v16 =	vadd.f32 v17, v16;
	v17 =	vmul.f32 v45, v44  }
0x165: {  	v51 =	vld [tilespmem:s26+$0x4770]  }
0x166: {  	v16 =	vadd.f32 v17, v16;
	v17 =	vmul.f32 v47, v46;
	_ =	sdelay $0x1  }
0x167: {  	v16 =	vadd.f32 v17, v16;
	v17 =	vmul.f32 v49, v48;
	_ =	sdelay $0x1  }
0x168: {  	v16 =	vadd.f32 v17, v16;
	v17 =	vmul.f32 v51, v50;
	_ =	sdelay $0x1  }
0x169: {  	v16 =	vadd.f32 v17, v16;
	_ =	sdelay $0x1  }
0x16a: {  	[tilespmem:$0x8900] =	vst v16  }
0x16b: {  	v16 =	vld [tilespmem:s26+$0x780]  }
0x16c: {  	v17 =	vld [tilespmem:s26+$0x4780]  }
0x16d: {  	v52 =	vld [tilespmem:s26+$0x790]  }
0x16e: {  	v53 =	vld [tilespmem:s26+$0x4790]  }
0x16f: {  	v54 =	vld [tilespmem:s26+$0x7A0]  }
0x170: {  	v55 =	vld [tilespmem:s26+$0x47A0]  }
0x171: {  	v56 =	vld [tilespmem:s26+$0x7B0]  }
0x172: {  	v57 =	vld [tilespmem:s26+$0x47B0]  }
0x173: {  	v58 =	vld [tilespmem:s26+$0x7C0];
	v16 =	vmul.f32 v17, v16;
	v17 =	vmul.f32 v53, v52  }
0x174: {  	v59 =	vld [tilespmem:s26+$0x47C0]  }
0x175: {  	v60 =	vld [tilespmem:s26+$0x7D0];
	v16 =	vadd.f32 v17, v16;
	v17 =	vmul.f32 v55, v54  }
0x176: {  	v61 =	vld [tilespmem:s26+$0x47D0]  }
0x177: {  	v62 =	vld [tilespmem:s26+$0x7E0];
	v16 =	vadd.f32 v17, v16;
	v17 =	vmul.f32 v57, v56  }
0x178: {  	v63 =	vld [tilespmem:s26+$0x47E0]  }
0x179: {  	v24 =	vld [tilespmem:s26+$0x7F0];
	v16 =	vadd.f32 v17, v16;
	v17 =	vmul.f32 v59, v58  }
0x17a: {  	v25 =	vld [tilespmem:s26+$0x47F0]  }
0x17b: {  	v16 =	vadd.f32 v17, v16;
	v17 =	vmul.f32 v61, v60;
	_ =	sdelay $0x1  }
0x17c: {  	v16 =	vadd.f32 v17, v16;
	v17 =	vmul.f32 v63, v62;
	_ =	sdelay $0x1  }
0x17d: {  	v16 =	vadd.f32 v17, v16;
	v17 =	vmul.f32 v25, v24;
	_ =	sdelay $0x1  }
0x17e: {  	v16 =	vadd.f32 v17, v16;
	_ =	sdelay $0x1  }
0x17f: {  	[tilespmem:$0x8980] =	vst v16  }
0x180: {  	v16 =	vld [tilespmem:s26+$0x800]  }
0x181: {  	v17 =	vld [tilespmem:s26+$0x4800]  }
0x182: {  	v26 =	vld [tilespmem:s26+$0x810]  }
0x183: {  	v27 =	vld [tilespmem:s26+$0x4810]  }
0x184: {  	v28 =	vld [tilespmem:s26+$0x820]  }
0x185: {  	v29 =	vld [tilespmem:s26+$0x4820]  }
0x186: {  	v30 =	vld [tilespmem:s26+$0x830]  }
0x187: {  	v31 =	vld [tilespmem:s26+$0x4830]  }
0x188: {  	v32 =	vld [tilespmem:s26+$0x840];
	v16 =	vmul.f32 v17, v16;
	v17 =	vmul.f32 v27, v26  }
0x189: {  	v33 =	vld [tilespmem:s26+$0x4840]  }
0x18a: {  	v34 =	vld [tilespmem:s26+$0x850];
	v16 =	vadd.f32 v17, v16;
	v17 =	vmul.f32 v29, v28  }
0x18b: {  	v35 =	vld [tilespmem:s26+$0x4850]  }
0x18c: {  	v36 =	vld [tilespmem:s26+$0x860];
	v16 =	vadd.f32 v17, v16;
	v17 =	vmul.f32 v31, v30  }
0x18d: {  	v37 =	vld [tilespmem:s26+$0x4860]  }
0x18e: {  	v38 =	vld [tilespmem:s26+$0x870];
	v16 =	vadd.f32 v17, v16;
	v17 =	vmul.f32 v33, v32  }
0x18f: {  	v39 =	vld [tilespmem:s26+$0x4870]  }
0x190: {  	v16 =	vadd.f32 v17, v16;
	v17 =	vmul.f32 v35, v34;
	_ =	sdelay $0x1  }
0x191: {  	v16 =	vadd.f32 v17, v16;
	v17 =	vmul.f32 v37, v36;
	_ =	sdelay $0x1  }
0x192: {  	v16 =	vadd.f32 v17, v16;
	v17 =	vmul.f32 v39, v38;
	_ =	sdelay $0x1  }
0x193: {  	v16 =	vadd.f32 v17, v16;
	_ =	sdelay $0x1  }
0x194: {  	[tilespmem:$0x8A00] =	vst v16  }
0x195: {  	v16 =	vld [tilespmem:s26+$0x880]  }
0x196: {  	v17 =	vld [tilespmem:s26+$0x4880]  }
0x197: {  	v40 =	vld [tilespmem:s26+$0x890]  }
0x198: {  	v41 =	vld [tilespmem:s26+$0x4890]  }
0x199: {  	v42 =	vld [tilespmem:s26+$0x8A0]  }
0x19a: {  	v43 =	vld [tilespmem:s26+$0x48A0]  }
0x19b: {  	v44 =	vld [tilespmem:s26+$0x8B0]  }
0x19c: {  	v45 =	vld [tilespmem:s26+$0x48B0]  }
0x19d: {  	v46 =	vld [tilespmem:s26+$0x8C0];
	v16 =	vmul.f32 v17, v16;
	v17 =	vmul.f32 v41, v40  }
0x19e: {  	v47 =	vld [tilespmem:s26+$0x48C0]  }
0x19f: {  	v48 =	vld [tilespmem:s26+$0x8D0];
	v16 =	vadd.f32 v17, v16;
	v17 =	vmul.f32 v43, v42  }
0x1a0: {  	v49 =	vld [tilespmem:s26+$0x48D0]  }
0x1a1: {  	v50 =	vld [tilespmem:s26+$0x8E0];
	v16 =	vadd.f32 v17, v16;
	v17 =	vmul.f32 v45, v44  }
0x1a2: {  	v51 =	vld [tilespmem:s26+$0x48E0]  }
0x1a3: {  	v52 =	vld [tilespmem:s26+$0x8F0];
	v16 =	vadd.f32 v17, v16;
	v17 =	vmul.f32 v47, v46  }
0x1a4: {  	v53 =	vld [tilespmem:s26+$0x48F0]  }
0x1a5: {  	v16 =	vadd.f32 v17, v16;
	v17 =	vmul.f32 v49, v48;
	_ =	sdelay $0x1  }
0x1a6: {  	v16 =	vadd.f32 v17, v16;
	v17 =	vmul.f32 v51, v50;
	_ =	sdelay $0x1  }
0x1a7: {  	v16 =	vadd.f32 v17, v16;
	v17 =	vmul.f32 v53, v52;
	_ =	sdelay $0x1  }
0x1a8: {  	v16 =	vadd.f32 v17, v16;
	_ =	sdelay $0x1  }
0x1a9: {  	[tilespmem:$0x8A80] =	vst v16  }
0x1aa: {  	v16 =	vld.idx.msk [tilespmem:v0+s21+$0x0], $0xffff  }
0x1ab: {  	v17 =	vld.idx.msk [tilespmem:v1+s21+$0x0], $0xffff;
	_ =	sdelay $0x1  }
0x1ac: {  	v54 =	vld.idx.msk [tilespmem:v2+s21+$0x0], $0xffff;
	_ =	sdelay $0x1  }
0x1ad: {  	v55 =	vld.idx.msk [tilespmem:v3+s21+$0x0], $0xffff  }
0x1ae: {  	v16 =	vadd.f32 v17, v16  }
0x1af: {  	v17 =	vld.idx.msk [tilespmem:v4+s21+$0x0], $0xffff  }
0x1b0: {  	v16 =	vadd.f32 v54, v16  }
0x1b1: {  	v56 =	vld.idx.msk [tilespmem:v5+s21+$0x0], $0xffff  }
0x1b2: {  	v16 =	vadd.f32 v55, v16  }
0x1b3: {  	v57 =	vld.idx.msk [tilespmem:v6+s21+$0x0], $0xffff  }
0x1b4: {  	v16 =	vadd.f32 v17, v16  }
0x1b5: {  	v17 =	vld.idx.msk [tilespmem:v7+s21+$0x0], $0xffff  }
0x1b6: {  	v16 =	vadd.f32 v56, v16  }
0x1b7: {  	v58 =	vld.idx.msk [tilespmem:v8+s21+$0x0], $0xffff  }
0x1b8: {  	v16 =	vadd.f32 v57, v16  }
0x1b9: {  	v59 =	vld.idx.msk [tilespmem:v9+s21+$0x0], $0xffff  }
0x1ba: {  	v16 =	vadd.f32 v17, v16  }
0x1bb: {  	v17 =	vld.idx.msk [tilespmem:v10+s21+$0x0], $0xffff  }
0x1bc: {  	v16 =	vadd.f32 v58, v16  }
0x1bd: {  	v60 =	vld.idx.msk [tilespmem:v11+s21+$0x0], $0xffff  }
0x1be: {  	v16 =	vadd.f32 v59, v16  }
0x1bf: {  	v61 =	vld.idx.msk [tilespmem:v12+s21+$0x0], $0xffff  }
0x1c0: {  	v16 =	vadd.f32 v17, v16  }
0x1c1: {  	v17 =	vld.idx.msk [tilespmem:v13+s21+$0x0], $0xffff  }
0x1c2: {  	v16 =	vadd.f32 v60, v16  }
0x1c3: {  	v62 =	vld.idx.msk [tilespmem:v14+s21+$0x0], $0xffff  }
0x1c4: {  	v16 =	vadd.f32 v61, v16  }
0x1c5: {  	v63 =	vld.idx.msk [tilespmem:v15+s21+$0x0], $0xffff  }
0x1c6: {  	v16 =	vadd.f32 v17, v16  }
0x1c7: {  	p0 =	sne.s32 s25, $0x7  }
.Ltmp0:
0x1c8: {  	v16 =	vadd.f32 v62, v16;
	(pc) =	sbr.rel @p0 .LBB2_2-.Ltmp0, $4  }
0x1c9: {  	_ = 	snop  }
0x1ca: {  	s31 =	sshll.u32 s25, $0x4;
	v16 =	vadd.f32 v63, v16  }
0x1cb: {  	s26 =	sand.u32 $0x3FFFFFF0, s31  }
0x1cc: {  	s25 =	sadd.s32 $0x1, s25;
	[tilespmem:s26+$0x8B00] =	vst v16  }
0x1cd: {  	[hbm4b:s9+s6] =	stream.linear.scatter [tilespmem:s22], [sflag:$0x4], $0x80, $0x38;
	[tilespmem:$0x8C00] =	vst v63  }
0x1ce: {  	s24 =	sadd.s32 $0x1, s24;
	_ =	swait.ge [sflag:s12], $0x80  }
0x1cf: {  	p0 =	sne.s32 s24, s11;
	[sflag:s12] =	ssyncset.done $0x0  }
.Ltmp1:
0x1d0: {  	[sflag:s12] =	ssyncadd.s32 $0xFFFFFF80;
	(pc) =	sbr.rel @p0 .LBB2_1-.Ltmp1, $4  }
0x1d1: {  	[hbm4b:s10+s6] =	stream.linear.scatter [tilespmem:s23], [sflag:$0x4], $0x80, $0x38;
	[tilespmem:$0x8C00] =	vst v63  }
0x1d2: {  	_ =	swait.ge [sflag:s12], $0x80  }
0x1d3: {  	[sflag:s12] =	ssyncset.done $0x0  }
0x1d4: {  	[sflag:s12] =	ssyncadd.s32 $0xFFFFFF80  }
0x1d5: {  	_ =	sfence.sel $0x180000  }
0x1d6: {  	[bflag:$0x0] =	sbarrier.arrive $0xFFFF  }
0x1d7: {  	p0 =	sne.s32 s5, $0x0;
	_ =	strace $0x90000047  }
0x1d8: {  	s0 =	sadd.s32 @!p0 $0x100000, s0;
	[bflag:$0x2] =	sbarrier.arrive $0xFFFF  }
0x1d9: {  	[sflag:s0] =	ssyncadd.tile.s32 @!p0 $0x1;
	_ =	shalt  }
.Lfunc_end2:
_tile_overlayer_lowered:
.L_overlay_start_2:
0x1da: {  	(tag) =	ssettag $0x2  }
0x1db: {  	s0 =	rddreg [dreg:$0x0];
	s2 =	stileid.u32  }
0x1dc: {  	s1 =	rddreg [dreg:$0x1];
	p0 =	sne.s32 s2, $0x0  }
0x1dd: {  	s3 =	rddreg [dreg:$0x2];
	[bflag:$0x3] =	sbarrier.arrive $0xFFFF;
	s2 =	simm.s32 @!p0 $0x1C04  }
0x1de: {  	[timem:s3], [sflag:s2] =	dma.local @!p0 [hbm:s0], s1  }
0x1df: {  	s0 =	simm.s32 @!p0 $0x4  }
0x1e0: {  	_ =	swait.ge @!p0 [sflag:s0], s1  }
0x1e1: {  	s1 =	ssub.s32 @!p0 $0x0, s1;
	[sflag:s0] =	ssyncset.done @!p0 $0x0  }
0x1e2: {  	[sflag:s0] =	ssyncadd.s32 @!p0 s1  }
0x1e3: {  	[bflag:$0x3] =	sbarrier.arrive $0xFFFF  }
0x1e4: {  	_ =	shalt  }

</sc_bundles>
